<compile_context>
chip_gen: v7x
topology: tpu7x:2x2x1
jax: 0.10.2.dev20260603
libtpu: 0.0.44.dev20260713+nightly
codegen_flags: <defaults>
</compile_context>

<pallas_src>
import functools

import jax
import jax.numpy as jnp
from jax import lax
from jax.experimental import pallas as pl
from jax.experimental.pallas import tpu as pltpu
from jax.experimental.pallas import tpu_sc as plsc

ACT_DIM = 18
D_EMBED = 64
NPAIR = ACT_DIM * ACT_DIM
DP = 2 * D_EMBED

NUM_CORES = 2
NUM_SUBCORES = 16
NW = NUM_CORES * NUM_SUBCORES

CH = 1024
PPG = 128


def _tanh16(v):
  return 1.0 - 2.0 / (jnp.exp(2.0 * v) + 1.0)


def _mesh():
  return plsc.VectorSubcoreMesh(
      core_axis_name="c", subcore_axis_name="s",
      num_cores=NUM_CORES, num_subcores=NUM_SUBCORES)


@jax.jit
def _sc_pair_table(table_flat):
  @functools.partial(
      pl.kernel,
      out_type=jax.ShapeDtypeStruct((NPAIR * DP,), jnp.float32),
      mesh=_mesh(),
      compiler_params=pltpu.CompilerParams(needs_layout_passes=False),
      scratch_types=[
          pltpu.VMEM((ACT_DIM * D_EMBED,), jnp.float32),
          pltpu.VMEM((NPAIR * DP,), jnp.float32),
      ],
  )
  def k(table_hbm, out_hbm, tblv, pairv):
    cid = lax.axis_index("c")
    sid = lax.axis_index("s")
    wid = sid * NUM_CORES + cid

    @pl.when(wid == 0)
    def _():
      pltpu.sync_copy(table_hbm, tblv)
      for i in range(ACT_DIM * D_EMBED // 16):
        sl = pl.ds(i * 16, 16)
        tblv[sl] = _tanh16(tblv[sl])

      def pair_body(a, carry):
        def inner(b, carry2):
          p = a * ACT_DIM + b
          for t in range(D_EMBED // 16):
            pairv[pl.ds(p * DP + t * 16, 16)] = (
                tblv[pl.ds(a * D_EMBED + t * 16, 16)])
            pairv[pl.ds(p * DP + D_EMBED + t * 16, 16)] = (
                tblv[pl.ds(b * D_EMBED + t * 16, 16)])
          return carry2
        return lax.fori_loop(0, ACT_DIM, inner, carry)

      lax.fori_loop(0, ACT_DIM, pair_body, 0)
      pltpu.sync_copy(pairv, out_hbm)

  return k(table_flat)


@functools.partial(jax.jit, static_argnames=("n_chunks",))
def _sc_embed(acts_flat, pair_table, n_chunks):
  n = acts_flat.shape[0]

  @functools.partial(
      pl.kernel,
      out_type=jax.ShapeDtypeStruct((n // 2, DP), jnp.float32),
      mesh=_mesh(),
      compiler_params=pltpu.CompilerParams(needs_layout_passes=False),
      scratch_types=[
          pltpu.VMEM((CH,), jnp.int32),
          pltpu.VMEM((CH // 2,), jnp.int32),
          pltpu.VMEM((CH // 2, DP), jnp.float32),
          pltpu.VMEM_SHARED((NPAIR, DP), jnp.float32),
          pltpu.SemaphoreType.DMA,
      ],
  )
  def k(pair_hbm, acts_hbm, out_hbm, idxv, pidxv, rowsv, pair_sp, sem):
    cid = lax.axis_index("c")
    sid = lax.axis_index("s")
    wid = sid * NUM_CORES + cid
    base = wid * (n_chunks * CH)
    lane = lax.iota(jnp.int32, 16)

    @pl.when(sid == 0)
    def _():
      pltpu.sync_copy(pair_hbm, pair_sp)
    plsc.subcore_barrier()

    def chunk_body(g, carry):
      off = base + g * CH
      pltpu.sync_copy(acts_hbm.at[pl.ds(off, CH)], idxv)
      for grp in range(CH // 32):
        ev = plsc.load_gather(idxv, [grp * 32 + 2 * lane])
        od = plsc.load_gather(idxv, [grp * 32 + 2 * lane + 1])
        pidxv[pl.ds(grp * 16, 16)] = ev * ACT_DIM + od
      copies = []
      for j in range(CH // 2 // PPG):
        sl = pl.ds(j * PPG, PPG)
        copies.append(
            pltpu.async_copy(pair_sp.at[pidxv.at[sl]], rowsv.at[sl], sem))
      for c in copies:
        c.wait()
      off2 = pl.multiple_of(off // 2, 8)
      pltpu.sync_copy(rowsv, out_hbm.at[pl.ds(off2, CH // 2)])
      return carry

    lax.fori_loop(0, n_chunks, chunk_body, 0)

  return k(pair_table, acts_flat)


def kernel(acts, table):
  b, h = acts.shape
  n = b * h
  assert n % (NW * CH) == 0
  n_chunks = n // (NW * CH)
  acts_flat = acts.reshape(n).astype(jnp.int32)
  pair_tbl = _sc_pair_table(table.reshape(-1)).reshape(NPAIR, DP)
  out = _sc_embed(acts_flat, pair_tbl, n_chunks)
  return out.reshape(b, h, D_EMBED)

# --- scband reference (transcript-rebuilt; emitter-appended) ---
"""Pipeline reference for scband-act-encoder-87299505258771 (READ-ONLY COPY).

The authoritative reference and input builder live on the scoring server;
editing this copy changes nothing except your own understanding.
"""

import jax, jax.numpy as jnp
import numpy as np

ACT_DIM = 18
D_EMBED = 64
BATCH = 16384
HIST = 200

def setup_inputs(seed: int = 0) -> dict:
    key = jax.random.key(seed)
    k1, k2 = jax.random.split(key)
    acts = jax.random.randint(k1, (BATCH, HIST), 0, ACT_DIM)
    table = jax.random.normal(k2, (ACT_DIM, D_EMBED), dtype=jnp.float32) * 0.02
    return {"acts": acts, "table": table}

def reference(acts, table):
    # ActEncoder for env_name='atari': nn.Embedding(act_dim, d_embed) followed by Tanh
    emb = jnp.take(table, acts, axis=0)  # [B, L, d_embed] gather
    return jnp.tanh(emb)

if __name__ == "__main__":
    import jax
    _d = setup_inputs()
    print(jax.jit(kernel)(*tuple(_d.values())))

</pallas_src>

<mosaic_0001>
#map = affine_map<(d0, d1) -> (0)>
module attributes {stable_mosaic.version = 14 : i64} {
  func.func @k(%arg0: i32, %arg1: i32, %arg2: memref<1152xf32, #tpu.memory_space<hbm>>, %arg3: memref<41472xf32, #tpu.memory_space<hbm>>, %arg4: memref<1152xf32, #tpu.memory_space<vmem>>, %arg5: memref<41472xf32, #tpu.memory_space<vmem>>) attributes {dimension_semantics = [#tpu.dimension_semantics<core_parallel>, #tpu.dimension_semantics<subcore_parallel>], iteration_bounds = array<i64: 2, 16>, scalar_prefetch = 0 : i64, scratch_operands = 2 : i64, tpu.core_type = #tpu.core_type<sc_vector_subcore>, window_params = [{transform_indices = #map}, {transform_indices = #map}]} {
    %mul3A = arith.constant 2 : i32
    %mul3A_0 = arith.muli %arg1, %mul3A : i32
    %add3A = arith.addi %mul3A_0, %arg0 : i32
    %eq3A = arith.constant 0 : i32
    %eq3A_1 = arith.cmpi eq, %add3A, %eq3A : i32
    %convert_element_type3A = arith.extui %eq3A_1 : i1 to i32
    %cond3A = arith.constant 0 : i32
    %cond3A_2 = arith.cmpi ne, %convert_element_type3A, %cond3A : i32
    scf.if %cond3A_2 {
      "tpu.region"() ({
        %run_scoped3A = tpu.sem_alloc : memref<!tpu.dma_semaphore, #tpu.memory_space<semaphore_mem>>
        tpu.enqueue_dma source(%arg2 : memref<1152xf32, #tpu.memory_space<hbm>>) target(%arg4 : memref<1152xf32, #tpu.memory_space<vmem>>) target_semaphore(%run_scoped3A : memref<!tpu.dma_semaphore, #tpu.memory_space<semaphore_mem>>)
        tpu.wait_dma2 semaphore(%run_scoped3A : memref<!tpu.dma_semaphore, #tpu.memory_space<semaphore_mem>>) src(%arg2 : memref<1152xf32, #tpu.memory_space<hbm>>) dst(%arg4 : memref<1152xf32, #tpu.memory_space<vmem>>)
        tpu.yield
      }) : () -> ()
      %get3A = arith.constant 0 : index
      %get3A_3 = tpu.vector_load %arg4[%get3A] {strides = array<i32>} : memref<1152xf32, #tpu.memory_space<vmem>>, vector<16xf32>,
      %mul3A_4 = arith.constant 2.000000e+00 : f32
      %mul3A_5 = vector.broadcast %mul3A_4 : f32 to vector<16xf32>
      %mul3A_6 = arith.mulf %mul3A_5, %get3A_3 : vector<16xf32>
      %exp3A = math.exp %mul3A_6 : vector<16xf32>
      %add3A_7 = arith.constant 1.000000e+00 : f32
      %add3A_8 = vector.broadcast %add3A_7 : f32 to vector<16xf32>
      %add3A_9 = arith.addf %exp3A, %add3A_8 : vector<16xf32>
      %div3A = arith.constant 2.000000e+00 : f32
      %div3A_10 = vector.broadcast %div3A : f32 to vector<16xf32>
      %div3A_11 = arith.divf %div3A_10, %add3A_9 : vector<16xf32>
      %sub3A = arith.constant 1.000000e+00 : f32
      %sub3A_12 = vector.broadcast %sub3A : f32 to vector<16xf32>
      %sub3A_13 = arith.subf %sub3A_12, %div3A_11 : vector<16xf32>
      %swap3A = arith.constant 0 : index
      %swap3A_14 = tpu.vector_load %arg4[%swap3A] {strides = array<i32>} : memref<1152xf32, #tpu.memory_space<vmem>>, vector<16xf32>,
      tpu.vector_store %arg4[%swap3A], %sub3A_13 {strides = array<i32>} : memref<1152xf32, #tpu.memory_space<vmem>>, vector<16xf32>,
      %get3A_15 = arith.constant 16 : index
      %get3A_16 = tpu.vector_load %arg4[%get3A_15] {strides = array<i32>} : memref<1152xf32, #tpu.memory_space<vmem>>, vector<16xf32>,
      %mul3A_17 = arith.constant 2.000000e+00 : f32
      %mul3A_18 = vector.broadcast %mul3A_17 : f32 to vector<16xf32>
      %mul3A_19 = arith.mulf %mul3A_18, %get3A_16 : vector<16xf32>
      %exp3A_20 = math.exp %mul3A_19 : vector<16xf32>
      %add3A_21 = arith.constant 1.000000e+00 : f32
      %add3A_22 = vector.broadcast %add3A_21 : f32 to vector<16xf32>
      %add3A_23 = arith.addf %exp3A_20, %add3A_22 : vector<16xf32>
      %div3A_24 = arith.constant 2.000000e+00 : f32
      %div3A_25 = vector.broadcast %div3A_24 : f32 to vector<16xf32>
      %div3A_26 = arith.divf %div3A_25, %add3A_23 : vector<16xf32>
      %sub3A_27 = arith.constant 1.000000e+00 : f32
      %sub3A_28 = vector.broadcast %sub3A_27 : f32 to vector<16xf32>
      %sub3A_29 = arith.subf %sub3A_28, %div3A_26 : vector<16xf32>
      %swap3A_30 = arith.constant 16 : index
      %swap3A_31 = tpu.vector_load %arg4[%swap3A_30] {strides = array<i32>} : memref<1152xf32, #tpu.memory_space<vmem>>, vector<16xf32>,
      tpu.vector_store %arg4[%swap3A_30], %sub3A_29 {strides = array<i32>} : memref<1152xf32, #tpu.memory_space<vmem>>, vector<16xf32>,
      %get3A_32 = arith.constant 32 : index
      %get3A_33 = tpu.vector_load %arg4[%get3A_32] {strides = array<i32>} : memref<1152xf32, #tpu.memory_space<vmem>>, vector<16xf32>,
      %mul3A_34 = arith.constant 2.000000e+00 : f32
      %mul3A_35 = vector.broadcast %mul3A_34 : f32 to vector<16xf32>
      %mul3A_36 = arith.mulf %mul3A_35, %get3A_33 : vector<16xf32>
      %exp3A_37 = math.exp %mul3A_36 : vector<16xf32>
      %add3A_38 = arith.constant 1.000000e+00 : f32
      %add3A_39 = vector.broadcast %add3A_38 : f32 to vector<16xf32>
      %add3A_40 = arith.addf %exp3A_37, %add3A_39 : vector<16xf32>
      %div3A_41 = arith.constant 2.000000e+00 : f32
      %div3A_42 = vector.broadcast %div3A_41 : f32 to vector<16xf32>
      %div3A_43 = arith.divf %div3A_42, %add3A_40 : vector<16xf32>
      %sub3A_44 = arith.constant 1.000000e+00 : f32
      %sub3A_45 = vector.broadcast %sub3A_44 : f32 to vector<16xf32>
      %sub3A_46 = arith.subf %sub3A_45, %div3A_43 : vector<16xf32>
      %swap3A_47 = arith.constant 32 : index
      %swap3A_48 = tpu.vector_load %arg4[%swap3A_47] {strides = array<i32>} : memref<1152xf32, #tpu.memory_space<vmem>>, vector<16xf32>,
      tpu.vector_store %arg4[%swap3A_47], %sub3A_46 {strides = array<i32>} : memref<1152xf32, #tpu.memory_space<vmem>>, vector<16xf32>,
      %get3A_49 = arith.constant 48 : index
      %get3A_50 = tpu.vector_load %arg4[%get3A_49] {strides = array<i32>} : memref<1152xf32, #tpu.memory_space<vmem>>, vector<16xf32>,
      %mul3A_51 = arith.constant 2.000000e+00 : f32
      %mul3A_52 = vector.broadcast %mul3A_51 : f32 to vector<16xf32>
      %mul3A_53 = arith.mulf %mul3A_52, %get3A_50 : vector<16xf32>
      %exp3A_54 = math.exp %mul3A_53 : vector<16xf32>
      %add3A_55 = arith.constant 1.000000e+00 : f32
      %add3A_56 = vector.broadcast %add3A_55 : f32 to vector<16xf32>
      %add3A_57 = arith.addf %exp3A_54, %add3A_56 : vector<16xf32>
      %div3A_58 = arith.constant 2.000000e+00 : f32
      %div3A_59 = vector.broadcast %div3A_58 : f32 to vector<16xf32>
      %div3A_60 = arith.divf %div3A_59, %add3A_57 : vector<16xf32>
      %sub3A_61 = arith.constant 1.000000e+00 : f32
      %sub3A_62 = vector.broadcast %sub3A_61 : f32 to vector<16xf32>
      %sub3A_63 = arith.subf %sub3A_62, %div3A_60 : vector<16xf32>
      %swap3A_64 = arith.constant 48 : index
      %swap3A_65 = tpu.vector_load %arg4[%swap3A_64] {strides = array<i32>} : memref<1152xf32, #tpu.memory_space<vmem>>, vector<16xf32>,
      tpu.vector_store %arg4[%swap3A_64], %sub3A_63 {strides = array<i32>} : memref<1152xf32, #tpu.memory_space<vmem>>, vector<16xf32>,
      %get3A_66 = arith.constant 64 : index
      %get3A_67 = tpu.vector_load %arg4[%get3A_66] {strides = array<i32>} : memref<1152xf32, #tpu.memory_space<vmem>>, vector<16xf32>,
      %mul3A_68 = arith.constant 2.000000e+00 : f32
      %mul3A_69 = vector.broadcast %mul3A_68 : f32 to vector<16xf32>
      %mul3A_70 = arith.mulf %mul3A_69, %get3A_67 : vector<16xf32>
      %exp3A_71 = math.exp %mul3A_70 : vector<16xf32>
      %add3A_72 = arith.constant 1.000000e+00 : f32
      %add3A_73 = vector.broadcast %add3A_72 : f32 to vector<16xf32>
      %add3A_74 = arith.addf %exp3A_71, %add3A_73 : vector<16xf32>
      %div3A_75 = arith.constant 2.000000e+00 : f32
      %div3A_76 = vector.broadcast %div3A_75 : f32 to vector<16xf32>
      %div3A_77 = arith.divf %div3A_76, %add3A_74 : vector<16xf32>
      %sub3A_78 = arith.constant 1.000000e+00 : f32
      %sub3A_79 = vector.broadcast %sub3A_78 : f32 to vector<16xf32>
      %sub3A_80 = arith.subf %sub3A_79, %div3A_77 : vector<16xf32>
      %swap3A_81 = arith.constant 64 : index
      %swap3A_82 = tpu.vector_load %arg4[%swap3A_81] {strides = array<i32>} : memref<1152xf32, #tpu.memory_space<vmem>>, vector<16xf32>,
      tpu.vector_store %arg4[%swap3A_81], %sub3A_80 {strides = array<i32>} : memref<1152xf32, #tpu.memory_space<vmem>>, vector<16xf32>,
      %get3A_83 = arith.constant 80 : index
      %get3A_84 = tpu.vector_load %arg4[%get3A_83] {strides = array<i32>} : memref<1152xf32, #tpu.memory_space<vmem>>, vector<16xf32>,
      %mul3A_85 = arith.constant 2.000000e+00 : f32
      %mul3A_86 = vector.broadcast %mul3A_85 : f32 to vector<16xf32>
      %mul3A_87 = arith.mulf %mul3A_86, %get3A_84 : vector<16xf32>
      %exp3A_88 = math.exp %mul3A_87 : vector<16xf32>
      %add3A_89 = arith.constant 1.000000e+00 : f32
      %add3A_90 = vector.broadcast %add3A_89 : f32 to vector<16xf32>
      %add3A_91 = arith.addf %exp3A_88, %add3A_90 : vector<16xf32>
      %div3A_92 = arith.constant 2.000000e+00 : f32
      %div3A_93 = vector.broadcast %div3A_92 : f32 to vector<16xf32>
      %div3A_94 = arith.divf %div3A_93, %add3A_91 : vector<16xf32>
      %sub3A_95 = arith.constant 1.000000e+00 : f32
      %sub3A_96 = vector.broadcast %sub3A_95 : f32 to vector<16xf32>
      %sub3A_97 = arith.subf %sub3A_96, %div3A_94 : vector<16xf32>
      %swap3A_98 = arith.constant 80 : index
      %swap3A_99 = tpu.vector_load %arg4[%swap3A_98] {strides = array<i32>} : memref<1152xf32, #tpu.memory_space<vmem>>, vector<16xf32>,
      tpu.vector_store %arg4[%swap3A_98], %sub3A_97 {strides = array<i32>} : memref<1152xf32, #tpu.memory_space<vmem>>, vector<16xf32>,
      %get3A_100 = arith.constant 96 : index
      %get3A_101 = tpu.vector_load %arg4[%get3A_100] {strides = array<i32>} : memref<1152xf32, #tpu.memory_space<vmem>>, vector<16xf32>,
      %mul3A_102 = arith.constant 2.000000e+00 : f32
      %mul3A_103 = vector.broadcast %mul3A_102 : f32 to vector<16xf32>
      %mul3A_104 = arith.mulf %mul3A_103, %get3A_101 : vector<16xf32>
      %exp3A_105 = math.exp %mul3A_104 : vector<16xf32>
      %add3A_106 = arith.constant 1.000000e+00 : f32
      %add3A_107 = vector.broadcast %add3A_106 : f32 to vector<16xf32>
      %add3A_108 = arith.addf %exp3A_105, %add3A_107 : vector<16xf32>
      %div3A_109 = arith.constant 2.000000e+00 : f32
      %div3A_110 = vector.broadcast %div3A_109 : f32 to vector<16xf32>
      %div3A_111 = arith.divf %div3A_110, %add3A_108 : vector<16xf32>
      %sub3A_112 = arith.constant 1.000000e+00 : f32
      %sub3A_113 = vector.broadcast %sub3A_112 : f32 to vector<16xf32>
      %sub3A_114 = arith.subf %sub3A_113, %div3A_111 : vector<16xf32>
      %swap3A_115 = arith.constant 96 : index
      %swap3A_116 = tpu.vector_load %arg4[%swap3A_115] {strides = array<i32>} : memref<1152xf32, #tpu.memory_space<vmem>>, vector<16xf32>,
      tpu.vector_store %arg4[%swap3A_115], %sub3A_114 {strides = array<i32>} : memref<1152xf32, #tpu.memory_space<vmem>>, vector<16xf32>,
      %get3A_117 = arith.constant 112 : index
      %get3A_118 = tpu.vector_load %arg4[%get3A_117] {strides = array<i32>} : memref<1152xf32, #tpu.memory_space<vmem>>, vector<16xf32>,
      %mul3A_119 = arith.constant 2.000000e+00 : f32
      %mul3A_120 = vector.broadcast %mul3A_119 : f32 to vector<16xf32>
      %mul3A_121 = arith.mulf %mul3A_120, %get3A_118 : vector<16xf32>
      %exp3A_122 = math.exp %mul3A_121 : vector<16xf32>
      %add3A_123 = arith.constant 1.000000e+00 : f32
      %add3A_124 = vector.broadcast %add3A_123 : f32 to vector<16xf32>
      %add3A_125 = arith.addf %exp3A_122, %add3A_124 : vector<16xf32>
      %div3A_126 = arith.constant 2.000000e+00 : f32
      %div3A_127 = vector.broadcast %div3A_126 : f32 to vector<16xf32>
      %div3A_128 = arith.divf %div3A_127, %add3A_125 : vector<16xf32>
      %sub3A_129 = arith.constant 1.000000e+00 : f32
      %sub3A_130 = vector.broadcast %sub3A_129 : f32 to vector<16xf32>
      %sub3A_131 = arith.subf %sub3A_130, %div3A_128 : vector<16xf32>
      %swap3A_132 = arith.constant 112 : index
      %swap3A_133 = tpu.vector_load %arg4[%swap3A_132] {strides = array<i32>} : memref<1152xf32, #tpu.memory_space<vmem>>, vector<16xf32>,
      tpu.vector_store %arg4[%swap3A_132], %sub3A_131 {strides = array<i32>} : memref<1152xf32, #tpu.memory_space<vmem>>, vector<16xf32>,
      %get3A_134 = arith.constant 128 : index
      %get3A_135 = tpu.vector_load %arg4[%get3A_134] {strides = array<i32>} : memref<1152xf32, #tpu.memory_space<vmem>>, vector<16xf32>,
      %mul3A_136 = arith.constant 2.000000e+00 : f32
      %mul3A_137 = vector.broadcast %mul3A_136 : f32 to vector<16xf32>
      %mul3A_138 = arith.mulf %mul3A_137, %get3A_135 : vector<16xf32>
      %exp3A_139 = math.exp %mul3A_138 : vector<16xf32>
      %add3A_140 = arith.constant 1.000000e+00 : f32
      %add3A_141 = vector.broadcast %add3A_140 : f32 to vector<16xf32>
      %add3A_142 = arith.addf %exp3A_139, %add3A_141 : vector<16xf32>
      %div3A_143 = arith.constant 2.000000e+00 : f32
      %div3A_144 = vector.broadcast %div3A_143 : f32 to vector<16xf32>
      %div3A_145 = arith.divf %div3A_144, %add3A_142 : vector<16xf32>
      %sub3A_146 = arith.constant 1.000000e+00 : f32
      %sub3A_147 = vector.broadcast %sub3A_146 : f32 to vector<16xf32>
      %sub3A_148 = arith.subf %sub3A_147, %div3A_145 : vector<16xf32>
      %swap3A_149 = arith.constant 128 : index
      %swap3A_150 = tpu.vector_load %arg4[%swap3A_149] {strides = array<i32>} : memref<1152xf32, #tpu.memory_space<vmem>>, vector<16xf32>,
      tpu.vector_store %arg4[%swap3A_149], %sub3A_148 {strides = array<i32>} : memref<1152xf32, #tpu.memory_space<vmem>>, vector<16xf32>,
      %get3A_151 = arith.constant 144 : index
      %get3A_152 = tpu.vector_load %arg4[%get3A_151] {strides = array<i32>} : memref<1152xf32, #tpu.memory_space<vmem>>, vector<16xf32>,
      %mul3A_153 = arith.constant 2.000000e+00 : f32
      %mul3A_154 = vector.broadcast %mul3A_153 : f32 to vector<16xf32>
      %mul3A_155 = arith.mulf %mul3A_154, %get3A_152 : vector<16xf32>
      %exp3A_156 = math.exp %mul3A_155 : vector<16xf32>
      %add3A_157 = arith.constant 1.000000e+00 : f32
      %add3A_158 = vector.broadcast %add3A_157 : f32 to vector<16xf32>
      %add3A_159 = arith.addf %exp3A_156, %add3A_158 : vector<16xf32>
      %div3A_160 = arith.constant 2.000000e+00 : f32
      %div3A_161 = vector.broadcast %div3A_160 : f32 to vector<16xf32>
      %div3A_162 = arith.divf %div3A_161, %add3A_159 : vector<16xf32>
      %sub3A_163 = arith.constant 1.000000e+00 : f32
      %sub3A_164 = vector.broadcast %sub3A_163 : f32 to vector<16xf32>
      %sub3A_165 = arith.subf %sub3A_164, %div3A_162 : vector<16xf32>
      %swap3A_166 = arith.constant 144 : index
      %swap3A_167 = tpu.vector_load %arg4[%swap3A_166] {strides = array<i32>} : memref<1152xf32, #tpu.memory_space<vmem>>, vector<16xf32>,
      tpu.vector_store %arg4[%swap3A_166], %sub3A_165 {strides = array<i32>} : memref<1152xf32, #tpu.memory_space<vmem>>, vector<16xf32>,
      %get3A_168 = arith.constant 160 : index
      %get3A_169 = tpu.vector_load %arg4[%get3A_168] {strides = array<i32>} : memref<1152xf32, #tpu.memory_space<vmem>>, vector<16xf32>,
      %mul3A_170 = arith.constant 2.000000e+00 : f32
      %mul3A_171 = vector.broadcast %mul3A_170 : f32 to vector<16xf32>
      %mul3A_172 = arith.mulf %mul3A_171, %get3A_169 : vector<16xf32>
      %exp3A_173 = math.exp %mul3A_172 : vector<16xf32>
      %add3A_174 = arith.constant 1.000000e+00 : f32
      %add3A_175 = vector.broadcast %add3A_174 : f32 to vector<16xf32>
      %add3A_176 = arith.addf %exp3A_173, %add3A_175 : vector<16xf32>
      %div3A_177 = arith.constant 2.000000e+00 : f32
      %div3A_178 = vector.broadcast %div3A_177 : f32 to vector<16xf32>
      %div3A_179 = arith.divf %div3A_178, %add3A_176 : vector<16xf32>
      %sub3A_180 = arith.constant 1.000000e+00 : f32
      %sub3A_181 = vector.broadcast %sub3A_180 : f32 to vector<16xf32>
      %sub3A_182 = arith.subf %sub3A_181, %div3A_179 : vector<16xf32>
      %swap3A_183 = arith.constant 160 : index
      %swap3A_184 = tpu.vector_load %arg4[%swap3A_183] {strides = array<i32>} : memref<1152xf32, #tpu.memory_space<vmem>>, vector<16xf32>,
      tpu.vector_store %arg4[%swap3A_183], %sub3A_182 {strides = array<i32>} : memref<1152xf32, #tpu.memory_space<vmem>>, vector<16xf32>,
      %get3A_185 = arith.constant 176 : index
      %get3A_186 = tpu.vector_load %arg4[%get3A_185] {strides = array<i32>} : memref<1152xf32, #tpu.memory_space<vmem>>, vector<16xf32>,
      %mul3A_187 = arith.constant 2.000000e+00 : f32
      %mul3A_188 = vector.broadcast %mul3A_187 : f32 to vector<16xf32>
      %mul3A_189 = arith.mulf %mul3A_188, %get3A_186 : vector<16xf32>
      %exp3A_190 = math.exp %mul3A_189 : vector<16xf32>
      %add3A_191 = arith.constant 1.000000e+00 : f32
      %add3A_192 = vector.broadcast %add3A_191 : f32 to vector<16xf32>
      %add3A_193 = arith.addf %exp3A_190, %add3A_192 : vector<16xf32>
      %div3A_194 = arith.constant 2.000000e+00 : f32
      %div3A_195 = vector.broadcast %div3A_194 : f32 to vector<16xf32>
      %div3A_196 = arith.divf %div3A_195, %add3A_193 : vector<16xf32>
      %sub3A_197 = arith.constant 1.000000e+00 : f32
      %sub3A_198 = vector.broadcast %sub3A_197 : f32 to vector<16xf32>
      %sub3A_199 = arith.subf %sub3A_198, %div3A_196 : vector<16xf32>
      %swap3A_200 = arith.constant 176 : index
      %swap3A_201 = tpu.vector_load %arg4[%swap3A_200] {strides = array<i32>} : memref<1152xf32, #tpu.memory_space<vmem>>, vector<16xf32>,
      tpu.vector_store %arg4[%swap3A_200], %sub3A_199 {strides = array<i32>} : memref<1152xf32, #tpu.memory_space<vmem>>, vector<16xf32>,
      %get3A_202 = arith.constant 192 : index
      %get3A_203 = tpu.vector_load %arg4[%get3A_202] {strides = array<i32>} : memref<1152xf32, #tpu.memory_space<vmem>>, vector<16xf32>,
      %mul3A_204 = arith.constant 2.000000e+00 : f32
      %mul3A_205 = vector.broadcast %mul3A_204 : f32 to vector<16xf32>
      %mul3A_206 = arith.mulf %mul3A_205, %get3A_203 : vector<16xf32>
      %exp3A_207 = math.exp %mul3A_206 : vector<16xf32>
      %add3A_208 = arith.constant 1.000000e+00 : f32
      %add3A_209 = vector.broadcast %add3A_208 : f32 to vector<16xf32>
      %add3A_210 = arith.addf %exp3A_207, %add3A_209 : vector<16xf32>
      %div3A_211 = arith.constant 2.000000e+00 : f32
      %div3A_212 = vector.broadcast %div3A_211 : f32 to vector<16xf32>
      %div3A_213 = arith.divf %div3A_212, %add3A_210 : vector<16xf32>
      %sub3A_214 = arith.constant 1.000000e+00 : f32
      %sub3A_215 = vector.broadcast %sub3A_214 : f32 to vector<16xf32>
      %sub3A_216 = arith.subf %sub3A_215, %div3A_213 : vector<16xf32>
      %swap3A_217 = arith.constant 192 : index
      %swap3A_218 = tpu.vector_load %arg4[%swap3A_217] {strides = array<i32>} : memref<1152xf32, #tpu.memory_space<vmem>>, vector<16xf32>,
      tpu.vector_store %arg4[%swap3A_217], %sub3A_216 {strides = array<i32>} : memref<1152xf32, #tpu.memory_space<vmem>>, vector<16xf32>,
      %get3A_219 = arith.constant 208 : index
      %get3A_220 = tpu.vector_load %arg4[%get3A_219] {strides = array<i32>} : memref<1152xf32, #tpu.memory_space<vmem>>, vector<16xf32>,
      %mul3A_221 = arith.constant 2.000000e+00 : f32
      %mul3A_222 = vector.broadcast %mul3A_221 : f32 to vector<16xf32>
      %mul3A_223 = arith.mulf %mul3A_222, %get3A_220 : vector<16xf32>
      %exp3A_224 = math.exp %mul3A_223 : vector<16xf32>
      %add3A_225 = arith.constant 1.000000e+00 : f32
      %add3A_226 = vector.broadcast %add3A_225 : f32 to vector<16xf32>
      %add3A_227 = arith.addf %exp3A_224, %add3A_226 : vector<16xf32>
      %div3A_228 = arith.constant 2.000000e+00 : f32
      %div3A_229 = vector.broadcast %div3A_228 : f32 to vector<16xf32>
      %div3A_230 = arith.divf %div3A_229, %add3A_227 : vector<16xf32>
      %sub3A_231 = arith.constant 1.000000e+00 : f32
      %sub3A_232 = vector.broadcast %sub3A_231 : f32 to vector<16xf32>
      %sub3A_233 = arith.subf %sub3A_232, %div3A_230 : vector<16xf32>
      %swap3A_234 = arith.constant 208 : index
      %swap3A_235 = tpu.vector_load %arg4[%swap3A_234] {strides = array<i32>} : memref<1152xf32, #tpu.memory_space<vmem>>, vector<16xf32>,
      tpu.vector_store %arg4[%swap3A_234], %sub3A_233 {strides = array<i32>} : memref<1152xf32, #tpu.memory_space<vmem>>, vector<16xf32>,
      %get3A_236 = arith.constant 224 : index
      %get3A_237 = tpu.vector_load %arg4[%get3A_236] {strides = array<i32>} : memref<1152xf32, #tpu.memory_space<vmem>>, vector<16xf32>,
      %mul3A_238 = arith.constant 2.000000e+00 : f32
      %mul3A_239 = vector.broadcast %mul3A_238 : f32 to vector<16xf32>
      %mul3A_240 = arith.mulf %mul3A_239, %get3A_237 : vector<16xf32>
      %exp3A_241 = math.exp %mul3A_240 : vector<16xf32>
      %add3A_242 = arith.constant 1.000000e+00 : f32
      %add3A_243 = vector.broadcast %add3A_242 : f32 to vector<16xf32>
      %add3A_244 = arith.addf %exp3A_241, %add3A_243 : vector<16xf32>
      %div3A_245 = arith.constant 2.000000e+00 : f32
      %div3A_246 = vector.broadcast %div3A_245 : f32 to vector<16xf32>
      %div3A_247 = arith.divf %div3A_246, %add3A_244 : vector<16xf32>
      %sub3A_248 = arith.constant 1.000000e+00 : f32
      %sub3A_249 = vector.broadcast %sub3A_248 : f32 to vector<16xf32>
      %sub3A_250 = arith.subf %sub3A_249, %div3A_247 : vector<16xf32>
      %swap3A_251 = arith.constant 224 : index
      %swap3A_252 = tpu.vector_load %arg4[%swap3A_251] {strides = array<i32>} : memref<1152xf32, #tpu.memory_space<vmem>>, vector<16xf32>,
      tpu.vector_store %arg4[%swap3A_251], %sub3A_250 {strides = array<i32>} : memref<1152xf32, #tpu.memory_space<vmem>>, vector<16xf32>,
      %get3A_253 = arith.constant 240 : index
      %get3A_254 = tpu.vector_load %arg4[%get3A_253] {strides = array<i32>} : memref<1152xf32, #tpu.memory_space<vmem>>, vector<16xf32>,
      %mul3A_255 = arith.constant 2.000000e+00 : f32
      %mul3A_256 = vector.broadcast %mul3A_255 : f32 to vector<16xf32>
      %mul3A_257 = arith.mulf %mul3A_256, %get3A_254 : vector<16xf32>
      %exp3A_258 = math.exp %mul3A_257 : vector<16xf32>
      %add3A_259 = arith.constant 1.000000e+00 : f32
      %add3A_260 = vector.broadcast %add3A_259 : f32 to vector<16xf32>
      %add3A_261 = arith.addf %exp3A_258, %add3A_260 : vector<16xf32>
      %div3A_262 = arith.constant 2.000000e+00 : f32
      %div3A_263 = vector.broadcast %div3A_262 : f32 to vector<16xf32>
      %div3A_264 = arith.divf %div3A_263, %add3A_261 : vector<16xf32>
      %sub3A_265 = arith.constant 1.000000e+00 : f32
      %sub3A_266 = vector.broadcast %sub3A_265 : f32 to vector<16xf32>
      %sub3A_267 = arith.subf %sub3A_266, %div3A_264 : vector<16xf32>
      %swap3A_268 = arith.constant 240 : index
      %swap3A_269 = tpu.vector_load %arg4[%swap3A_268] {strides = array<i32>} : memref<1152xf32, #tpu.memory_space<vmem>>, vector<16xf32>,
      tpu.vector_store %arg4[%swap3A_268], %sub3A_267 {strides = array<i32>} : memref<1152xf32, #tpu.memory_space<vmem>>, vector<16xf32>,
      %get3A_270 = arith.constant 256 : index
      %get3A_271 = tpu.vector_load %arg4[%get3A_270] {strides = array<i32>} : memref<1152xf32, #tpu.memory_space<vmem>>, vector<16xf32>,
      %mul3A_272 = arith.constant 2.000000e+00 : f32
      %mul3A_273 = vector.broadcast %mul3A_272 : f32 to vector<16xf32>
      %mul3A_274 = arith.mulf %mul3A_273, %get3A_271 : vector<16xf32>
      %exp3A_275 = math.exp %mul3A_274 : vector<16xf32>
      %add3A_276 = arith.constant 1.000000e+00 : f32
      %add3A_277 = vector.broadcast %add3A_276 : f32 to vector<16xf32>
      %add3A_278 = arith.addf %exp3A_275, %add3A_277 : vector<16xf32>
      %div3A_279 = arith.constant 2.000000e+00 : f32
      %div3A_280 = vector.broadcast %div3A_279 : f32 to vector<16xf32>
      %div3A_281 = arith.divf %div3A_280, %add3A_278 : vector<16xf32>
      %sub3A_282 = arith.constant 1.000000e+00 : f32
      %sub3A_283 = vector.broadcast %sub3A_282 : f32 to vector<16xf32>
      %sub3A_284 = arith.subf %sub3A_283, %div3A_281 : vector<16xf32>
      %swap3A_285 = arith.constant 256 : index
      %swap3A_286 = tpu.vector_load %arg4[%swap3A_285] {strides = array<i32>} : memref<1152xf32, #tpu.memory_space<vmem>>, vector<16xf32>,
      tpu.vector_store %arg4[%swap3A_285], %sub3A_284 {strides = array<i32>} : memref<1152xf32, #tpu.memory_space<vmem>>, vector<16xf32>,
      %get3A_287 = arith.constant 272 : index
      %get3A_288 = tpu.vector_load %arg4[%get3A_287] {strides = array<i32>} : memref<1152xf32, #tpu.memory_space<vmem>>, vector<16xf32>,
      %mul3A_289 = arith.constant 2.000000e+00 : f32
      %mul3A_290 = vector.broadcast %mul3A_289 : f32 to vector<16xf32>
      %mul3A_291 = arith.mulf %mul3A_290, %get3A_288 : vector<16xf32>
      %exp3A_292 = math.exp %mul3A_291 : vector<16xf32>
      %add3A_293 = arith.constant 1.000000e+00 : f32
      %add3A_294 = vector.broadcast %add3A_293 : f32 to vector<16xf32>
      %add3A_295 = arith.addf %exp3A_292, %add3A_294 : vector<16xf32>
      %div3A_296 = arith.constant 2.000000e+00 : f32
      %div3A_297 = vector.broadcast %div3A_296 : f32 to vector<16xf32>
      %div3A_298 = arith.divf %div3A_297, %add3A_295 : vector<16xf32>
      %sub3A_299 = arith.constant 1.000000e+00 : f32
      %sub3A_300 = vector.broadcast %sub3A_299 : f32 to vector<16xf32>
      %sub3A_301 = arith.subf %sub3A_300, %div3A_298 : vector<16xf32>
      %swap3A_302 = arith.constant 272 : index
      %swap3A_303 = tpu.vector_load %arg4[%swap3A_302] {strides = array<i32>} : memref<1152xf32, #tpu.memory_space<vmem>>, vector<16xf32>,
      tpu.vector_store %arg4[%swap3A_302], %sub3A_301 {strides = array<i32>} : memref<1152xf32, #tpu.memory_space<vmem>>, vector<16xf32>,
      %get3A_304 = arith.constant 288 : index
      %get3A_305 = tpu.vector_load %arg4[%get3A_304] {strides = array<i32>} : memref<1152xf32, #tpu.memory_space<vmem>>, vector<16xf32>,
      %mul3A_306 = arith.constant 2.000000e+00 : f32
      %mul3A_307 = vector.broadcast %mul3A_306 : f32 to vector<16xf32>
      %mul3A_308 = arith.mulf %mul3A_307, %get3A_305 : vector<16xf32>
      %exp3A_309 = math.exp %mul3A_308 : vector<16xf32>
      %add3A_310 = arith.constant 1.000000e+00 : f32
      %add3A_311 = vector.broadcast %add3A_310 : f32 to vector<16xf32>
      %add3A_312 = arith.addf %exp3A_309, %add3A_311 : vector<16xf32>
      %div3A_313 = arith.constant 2.000000e+00 : f32
      %div3A_314 = vector.broadcast %div3A_313 : f32 to vector<16xf32>
      %div3A_315 = arith.divf %div3A_314, %add3A_312 : vector<16xf32>
      %sub3A_316 = arith.constant 1.000000e+00 : f32
      %sub3A_317 = vector.broadcast %sub3A_316 : f32 to vector<16xf32>
      %sub3A_318 = arith.subf %sub3A_317, %div3A_315 : vector<16xf32>
      %swap3A_319 = arith.constant 288 : index
      %swap3A_320 = tpu.vector_load %arg4[%swap3A_319] {strides = array<i32>} : memref<1152xf32, #tpu.memory_space<vmem>>, vector<16xf32>,
      tpu.vector_store %arg4[%swap3A_319], %sub3A_318 {strides = array<i32>} : memref<1152xf32, #tpu.memory_space<vmem>>, vector<16xf32>,
      %get3A_321 = arith.constant 304 : index
      %get3A_322 = tpu.vector_load %arg4[%get3A_321] {strides = array<i32>} : memref<1152xf32, #tpu.memory_space<vmem>>, vector<16xf32>,
      %mul3A_323 = arith.constant 2.000000e+00 : f32
      %mul3A_324 = vector.broadcast %mul3A_323 : f32 to vector<16xf32>
      %mul3A_325 = arith.mulf %mul3A_324, %get3A_322 : vector<16xf32>
      %exp3A_326 = math.exp %mul3A_325 : vector<16xf32>
      %add3A_327 = arith.constant 1.000000e+00 : f32
      %add3A_328 = vector.broadcast %add3A_327 : f32 to vector<16xf32>
      %add3A_329 = arith.addf %exp3A_326, %add3A_328 : vector<16xf32>
      %div3A_330 = arith.constant 2.000000e+00 : f32
      %div3A_331 = vector.broadcast %div3A_330 : f32 to vector<16xf32>
      %div3A_332 = arith.divf %div3A_331, %add3A_329 : vector<16xf32>
      %sub3A_333 = arith.constant 1.000000e+00 : f32
      %sub3A_334 = vector.broadcast %sub3A_333 : f32 to vector<16xf32>
      %sub3A_335 = arith.subf %sub3A_334, %div3A_332 : vector<16xf32>
      %swap3A_336 = arith.constant 304 : index
      %swap3A_337 = tpu.vector_load %arg4[%swap3A_336] {strides = array<i32>} : memref<1152xf32, #tpu.memory_space<vmem>>, vector<16xf32>,
      tpu.vector_store %arg4[%swap3A_336], %sub3A_335 {strides = array<i32>} : memref<1152xf32, #tpu.memory_space<vmem>>, vector<16xf32>,
      %get3A_338 = arith.constant 320 : index
      %get3A_339 = tpu.vector_load %arg4[%get3A_338] {strides = array<i32>} : memref<1152xf32, #tpu.memory_space<vmem>>, vector<16xf32>,
      %mul3A_340 = arith.constant 2.000000e+00 : f32
      %mul3A_341 = vector.broadcast %mul3A_340 : f32 to vector<16xf32>
      %mul3A_342 = arith.mulf %mul3A_341, %get3A_339 : vector<16xf32>
      %exp3A_343 = math.exp %mul3A_342 : vector<16xf32>
      %add3A_344 = arith.constant 1.000000e+00 : f32
      %add3A_345 = vector.broadcast %add3A_344 : f32 to vector<16xf32>
      %add3A_346 = arith.addf %exp3A_343, %add3A_345 : vector<16xf32>
      %div3A_347 = arith.constant 2.000000e+00 : f32
      %div3A_348 = vector.broadcast %div3A_347 : f32 to vector<16xf32>
      %div3A_349 = arith.divf %div3A_348, %add3A_346 : vector<16xf32>
      %sub3A_350 = arith.constant 1.000000e+00 : f32
      %sub3A_351 = vector.broadcast %sub3A_350 : f32 to vector<16xf32>
      %sub3A_352 = arith.subf %sub3A_351, %div3A_349 : vector<16xf32>
      %swap3A_353 = arith.constant 320 : index
      %swap3A_354 = tpu.vector_load %arg4[%swap3A_353] {strides = array<i32>} : memref<1152xf32, #tpu.memory_space<vmem>>, vector<16xf32>,
      tpu.vector_store %arg4[%swap3A_353], %sub3A_352 {strides = array<i32>} : memref<1152xf32, #tpu.memory_space<vmem>>, vector<16xf32>,
      %get3A_355 = arith.constant 336 : index
      %get3A_356 = tpu.vector_load %arg4[%get3A_355] {strides = array<i32>} : memref<1152xf32, #tpu.memory_space<vmem>>, vector<16xf32>,
      %mul3A_357 = arith.constant 2.000000e+00 : f32
      %mul3A_358 = vector.broadcast %mul3A_357 : f32 to vector<16xf32>
      %mul3A_359 = arith.mulf %mul3A_358, %get3A_356 : vector<16xf32>
      %exp3A_360 = math.exp %mul3A_359 : vector<16xf32>
      %add3A_361 = arith.constant 1.000000e+00 : f32
      %add3A_362 = vector.broadcast %add3A_361 : f32 to vector<16xf32>
      %add3A_363 = arith.addf %exp3A_360, %add3A_362 : vector<16xf32>
      %div3A_364 = arith.constant 2.000000e+00 : f32
      %div3A_365 = vector.broadcast %div3A_364 : f32 to vector<16xf32>
      %div3A_366 = arith.divf %div3A_365, %add3A_363 : vector<16xf32>
      %sub3A_367 = arith.constant 1.000000e+00 : f32
      %sub3A_368 = vector.broadcast %sub3A_367 : f32 to vector<16xf32>
      %sub3A_369 = arith.subf %sub3A_368, %div3A_366 : vector<16xf32>
      %swap3A_370 = arith.constant 336 : index
      %swap3A_371 = tpu.vector_load %arg4[%swap3A_370] {strides = array<i32>} : memref<1152xf32, #tpu.memory_space<vmem>>, vector<16xf32>,
      tpu.vector_store %arg4[%swap3A_370], %sub3A_369 {strides = array<i32>} : memref<1152xf32, #tpu.memory_space<vmem>>, vector<16xf32>,
      %get3A_372 = arith.constant 352 : index
      %get3A_373 = tpu.vector_load %arg4[%get3A_372] {strides = array<i32>} : memref<1152xf32, #tpu.memory_space<vmem>>, vector<16xf32>,
      %mul3A_374 = arith.constant 2.000000e+00 : f32
      %mul3A_375 = vector.broadcast %mul3A_374 : f32 to vector<16xf32>
      %mul3A_376 = arith.mulf %mul3A_375, %get3A_373 : vector<16xf32>
      %exp3A_377 = math.exp %mul3A_376 : vector<16xf32>
      %add3A_378 = arith.constant 1.000000e+00 : f32
      %add3A_379 = vector.broadcast %add3A_378 : f32 to vector<16xf32>
      %add3A_380 = arith.addf %exp3A_377, %add3A_379 : vector<16xf32>
      %div3A_381 = arith.constant 2.000000e+00 : f32
      %div3A_382 = vector.broadcast %div3A_381 : f32 to vector<16xf32>
      %div3A_383 = arith.divf %div3A_382, %add3A_380 : vector<16xf32>
      %sub3A_384 = arith.constant 1.000000e+00 : f32
      %sub3A_385 = vector.broadcast %sub3A_384 : f32 to vector<16xf32>
      %sub3A_386 = arith.subf %sub3A_385, %div3A_383 : vector<16xf32>
      %swap3A_387 = arith.constant 352 : index
      %swap3A_388 = tpu.vector_load %arg4[%swap3A_387] {strides = array<i32>} : memref<1152xf32, #tpu.memory_space<vmem>>, vector<16xf32>,
      tpu.vector_store %arg4[%swap3A_387], %sub3A_386 {strides = array<i32>} : memref<1152xf32, #tpu.memory_space<vmem>>, vector<16xf32>,
      %get3A_389 = arith.constant 368 : index
      %get3A_390 = tpu.vector_load %arg4[%get3A_389] {strides = array<i32>} : memref<1152xf32, #tpu.memory_space<vmem>>, vector<16xf32>,
      %mul3A_391 = arith.constant 2.000000e+00 : f32
      %mul3A_392 = vector.broadcast %mul3A_391 : f32 to vector<16xf32>
      %mul3A_393 = arith.mulf %mul3A_392, %get3A_390 : vector<16xf32>
      %exp3A_394 = math.exp %mul3A_393 : vector<16xf32>
      %add3A_395 = arith.constant 1.000000e+00 : f32
      %add3A_396 = vector.broadcast %add3A_395 : f32 to vector<16xf32>
      %add3A_397 = arith.addf %exp3A_394, %add3A_396 : vector<16xf32>
      %div3A_398 = arith.constant 2.000000e+00 : f32
      %div3A_399 = vector.broadcast %div3A_398 : f32 to vector<16xf32>
      %div3A_400 = arith.divf %div3A_399, %add3A_397 : vector<16xf32>
      %sub3A_401 = arith.constant 1.000000e+00 : f32
      %sub3A_402 = vector.broadcast %sub3A_401 : f32 to vector<16xf32>
      %sub3A_403 = arith.subf %sub3A_402, %div3A_400 : vector<16xf32>
      %swap3A_404 = arith.constant 368 : index
      %swap3A_405 = tpu.vector_load %arg4[%swap3A_404] {strides = array<i32>} : memref<1152xf32, #tpu.memory_space<vmem>>, vector<16xf32>,
      tpu.vector_store %arg4[%swap3A_404], %sub3A_403 {strides = array<i32>} : memref<1152xf32, #tpu.memory_space<vmem>>, vector<16xf32>,
      %get3A_406 = arith.constant 384 : index
      %get3A_407 = tpu.vector_load %arg4[%get3A_406] {strides = array<i32>} : memref<1152xf32, #tpu.memory_space<vmem>>, vector<16xf32>,
      %mul3A_408 = arith.constant 2.000000e+00 : f32
      %mul3A_409 = vector.broadcast %mul3A_408 : f32 to vector<16xf32>
      %mul3A_410 = arith.mulf %mul3A_409, %get3A_407 : vector<16xf32>
      %exp3A_411 = math.exp %mul3A_410 : vector<16xf32>
      %add3A_412 = arith.constant 1.000000e+00 : f32
      %add3A_413 = vector.broadcast %add3A_412 : f32 to vector<16xf32>
      %add3A_414 = arith.addf %exp3A_411, %add3A_413 : vector<16xf32>
      %div3A_415 = arith.constant 2.000000e+00 : f32
      %div3A_416 = vector.broadcast %div3A_415 : f32 to vector<16xf32>
      %div3A_417 = arith.divf %div3A_416, %add3A_414 : vector<16xf32>
      %sub3A_418 = arith.constant 1.000000e+00 : f32
      %sub3A_419 = vector.broadcast %sub3A_418 : f32 to vector<16xf32>
      %sub3A_420 = arith.subf %sub3A_419, %div3A_417 : vector<16xf32>
      %swap3A_421 = arith.constant 384 : index
      %swap3A_422 = tpu.vector_load %arg4[%swap3A_421] {strides = array<i32>} : memref<1152xf32, #tpu.memory_space<vmem>>, vector<16xf32>,
      tpu.vector_store %arg4[%swap3A_421], %sub3A_420 {strides = array<i32>} : memref<1152xf32, #tpu.memory_space<vmem>>, vector<16xf32>,
      %get3A_423 = arith.constant 400 : index
      %get3A_424 = tpu.vector_load %arg4[%get3A_423] {strides = array<i32>} : memref<1152xf32, #tpu.memory_space<vmem>>, vector<16xf32>,
      %mul3A_425 = arith.constant 2.000000e+00 : f32
      %mul3A_426 = vector.broadcast %mul3A_425 : f32 to vector<16xf32>
      %mul3A_427 = arith.mulf %mul3A_426, %get3A_424 : vector<16xf32>
      %exp3A_428 = math.exp %mul3A_427 : vector<16xf32>
      %add3A_429 = arith.constant 1.000000e+00 : f32
      %add3A_430 = vector.broadcast %add3A_429 : f32 to vector<16xf32>
      %add3A_431 = arith.addf %exp3A_428, %add3A_430 : vector<16xf32>
      %div3A_432 = arith.constant 2.000000e+00 : f32
      %div3A_433 = vector.broadcast %div3A_432 : f32 to vector<16xf32>
      %div3A_434 = arith.divf %div3A_433, %add3A_431 : vector<16xf32>
      %sub3A_435 = arith.constant 1.000000e+00 : f32
      %sub3A_436 = vector.broadcast %sub3A_435 : f32 to vector<16xf32>
      %sub3A_437 = arith.subf %sub3A_436, %div3A_434 : vector<16xf32>
      %swap3A_438 = arith.constant 400 : index
      %swap3A_439 = tpu.vector_load %arg4[%swap3A_438] {strides = array<i32>} : memref<1152xf32, #tpu.memory_space<vmem>>, vector<16xf32>,
      tpu.vector_store %arg4[%swap3A_438], %sub3A_437 {strides = array<i32>} : memref<1152xf32, #tpu.memory_space<vmem>>, vector<16xf32>,
      %get3A_440 = arith.constant 416 : index
      %get3A_441 = tpu.vector_load %arg4[%get3A_440] {strides = array<i32>} : memref<1152xf32, #tpu.memory_space<vmem>>, vector<16xf32>,
      %mul3A_442 = arith.constant 2.000000e+00 : f32
      %mul3A_443 = vector.broadcast %mul3A_442 : f32 to vector<16xf32>
      %mul3A_444 = arith.mulf %mul3A_443, %get3A_441 : vector<16xf32>
      %exp3A_445 = math.exp %mul3A_444 : vector<16xf32>
      %add3A_446 = arith.constant 1.000000e+00 : f32
      %add3A_447 = vector.broadcast %add3A_446 : f32 to vector<16xf32>
      %add3A_448 = arith.addf %exp3A_445, %add3A_447 : vector<16xf32>
      %div3A_449 = arith.constant 2.000000e+00 : f32
      %div3A_450 = vector.broadcast %div3A_449 : f32 to vector<16xf32>
      %div3A_451 = arith.divf %div3A_450, %add3A_448 : vector<16xf32>
      %sub3A_452 = arith.constant 1.000000e+00 : f32
      %sub3A_453 = vector.broadcast %sub3A_452 : f32 to vector<16xf32>
      %sub3A_454 = arith.subf %sub3A_453, %div3A_451 : vector<16xf32>
      %swap3A_455 = arith.constant 416 : index
      %swap3A_456 = tpu.vector_load %arg4[%swap3A_455] {strides = array<i32>} : memref<1152xf32, #tpu.memory_space<vmem>>, vector<16xf32>,
      tpu.vector_store %arg4[%swap3A_455], %sub3A_454 {strides = array<i32>} : memref<1152xf32, #tpu.memory_space<vmem>>, vector<16xf32>,
      %get3A_457 = arith.constant 432 : index
      %get3A_458 = tpu.vector_load %arg4[%get3A_457] {strides = array<i32>} : memref<1152xf32, #tpu.memory_space<vmem>>, vector<16xf32>,
      %mul3A_459 = arith.constant 2.000000e+00 : f32
      %mul3A_460 = vector.broadcast %mul3A_459 : f32 to vector<16xf32>
      %mul3A_461 = arith.mulf %mul3A_460, %get3A_458 : vector<16xf32>
      %exp3A_462 = math.exp %mul3A_461 : vector<16xf32>
      %add3A_463 = arith.constant 1.000000e+00 : f32
      %add3A_464 = vector.broadcast %add3A_463 : f32 to vector<16xf32>
      %add3A_465 = arith.addf %exp3A_462, %add3A_464 : vector<16xf32>
      %div3A_466 = arith.constant 2.000000e+00 : f32
      %div3A_467 = vector.broadcast %div3A_466 : f32 to vector<16xf32>
      %div3A_468 = arith.divf %div3A_467, %add3A_465 : vector<16xf32>
      %sub3A_469 = arith.constant 1.000000e+00 : f32
      %sub3A_470 = vector.broadcast %sub3A_469 : f32 to vector<16xf32>
      %sub3A_471 = arith.subf %sub3A_470, %div3A_468 : vector<16xf32>
      %swap3A_472 = arith.constant 432 : index
      %swap3A_473 = tpu.vector_load %arg4[%swap3A_472] {strides = array<i32>} : memref<1152xf32, #tpu.memory_space<vmem>>, vector<16xf32>,
      tpu.vector_store %arg4[%swap3A_472], %sub3A_471 {strides = array<i32>} : memref<1152xf32, #tpu.memory_space<vmem>>, vector<16xf32>,
      %get3A_474 = arith.constant 448 : index
      %get3A_475 = tpu.vector_load %arg4[%get3A_474] {strides = array<i32>} : memref<1152xf32, #tpu.memory_space<vmem>>, vector<16xf32>,
      %mul3A_476 = arith.constant 2.000000e+00 : f32
      %mul3A_477 = vector.broadcast %mul3A_476 : f32 to vector<16xf32>
      %mul3A_478 = arith.mulf %mul3A_477, %get3A_475 : vector<16xf32>
      %exp3A_479 = math.exp %mul3A_478 : vector<16xf32>
      %add3A_480 = arith.constant 1.000000e+00 : f32
      %add3A_481 = vector.broadcast %add3A_480 : f32 to vector<16xf32>
      %add3A_482 = arith.addf %exp3A_479, %add3A_481 : vector<16xf32>
      %div3A_483 = arith.constant 2.000000e+00 : f32
      %div3A_484 = vector.broadcast %div3A_483 : f32 to vector<16xf32>
      %div3A_485 = arith.divf %div3A_484, %add3A_482 : vector<16xf32>
      %sub3A_486 = arith.constant 1.000000e+00 : f32
      %sub3A_487 = vector.broadcast %sub3A_486 : f32 to vector<16xf32>
      %sub3A_488 = arith.subf %sub3A_487, %div3A_485 : vector<16xf32>
      %swap3A_489 = arith.constant 448 : index
      %swap3A_490 = tpu.vector_load %arg4[%swap3A_489] {strides = array<i32>} : memref<1152xf32, #tpu.memory_space<vmem>>, vector<16xf32>,
      tpu.vector_store %arg4[%swap3A_489], %sub3A_488 {strides = array<i32>} : memref<1152xf32, #tpu.memory_space<vmem>>, vector<16xf32>,
      %get3A_491 = arith.constant 464 : index
      %get3A_492 = tpu.vector_load %arg4[%get3A_491] {strides = array<i32>} : memref<1152xf32, #tpu.memory_space<vmem>>, vector<16xf32>,
      %mul3A_493 = arith.constant 2.000000e+00 : f32
      %mul3A_494 = vector.broadcast %mul3A_493 : f32 to vector<16xf32>
      %mul3A_495 = arith.mulf %mul3A_494, %get3A_492 : vector<16xf32>
      %exp3A_496 = math.exp %mul3A_495 : vector<16xf32>
      %add3A_497 = arith.constant 1.000000e+00 : f32
      %add3A_498 = vector.broadcast %add3A_497 : f32 to vector<16xf32>
      %add3A_499 = arith.addf %exp3A_496, %add3A_498 : vector<16xf32>
      %div3A_500 = arith.constant 2.000000e+00 : f32
      %div3A_501 = vector.broadcast %div3A_500 : f32 to vector<16xf32>
      %div3A_502 = arith.divf %div3A_501, %add3A_499 : vector<16xf32>
      %sub3A_503 = arith.constant 1.000000e+00 : f32
      %sub3A_504 = vector.broadcast %sub3A_503 : f32 to vector<16xf32>
      %sub3A_505 = arith.subf %sub3A_504, %div3A_502 : vector<16xf32>
      %swap3A_506 = arith.constant 464 : index
      %swap3A_507 = tpu.vector_load %arg4[%swap3A_506] {strides = array<i32>} : memref<1152xf32, #tpu.memory_space<vmem>>, vector<16xf32>,
      tpu.vector_store %arg4[%swap3A_506], %sub3A_505 {strides = array<i32>} : memref<1152xf32, #tpu.memory_space<vmem>>, vector<16xf32>,
      %get3A_508 = arith.constant 480 : index
      %get3A_509 = tpu.vector_load %arg4[%get3A_508] {strides = array<i32>} : memref<1152xf32, #tpu.memory_space<vmem>>, vector<16xf32>,
      %mul3A_510 = arith.constant 2.000000e+00 : f32
      %mul3A_511 = vector.broadcast %mul3A_510 : f32 to vector<16xf32>
      %mul3A_512 = arith.mulf %mul3A_511, %get3A_509 : vector<16xf32>
      %exp3A_513 = math.exp %mul3A_512 : vector<16xf32>
      %add3A_514 = arith.constant 1.000000e+00 : f32
      %add3A_515 = vector.broadcast %add3A_514 : f32 to vector<16xf32>
      %add3A_516 = arith.addf %exp3A_513, %add3A_515 : vector<16xf32>
      %div3A_517 = arith.constant 2.000000e+00 : f32
      %div3A_518 = vector.broadcast %div3A_517 : f32 to vector<16xf32>
      %div3A_519 = arith.divf %div3A_518, %add3A_516 : vector<16xf32>
      %sub3A_520 = arith.constant 1.000000e+00 : f32
      %sub3A_521 = vector.broadcast %sub3A_520 : f32 to vector<16xf32>
      %sub3A_522 = arith.subf %sub3A_521, %div3A_519 : vector<16xf32>
      %swap3A_523 = arith.constant 480 : index
      %swap3A_524 = tpu.vector_load %arg4[%swap3A_523] {strides = array<i32>} : memref<1152xf32, #tpu.memory_space<vmem>>, vector<16xf32>,
      tpu.vector_store %arg4[%swap3A_523], %sub3A_522 {strides = array<i32>} : memref<1152xf32, #tpu.memory_space<vmem>>, vector<16xf32>,
      %get3A_525 = arith.constant 496 : index
      %get3A_526 = tpu.vector_load %arg4[%get3A_525] {strides = array<i32>} : memref<1152xf32, #tpu.memory_space<vmem>>, vector<16xf32>,
      %mul3A_527 = arith.constant 2.000000e+00 : f32
      %mul3A_528 = vector.broadcast %mul3A_527 : f32 to vector<16xf32>
      %mul3A_529 = arith.mulf %mul3A_528, %get3A_526 : vector<16xf32>
      %exp3A_530 = math.exp %mul3A_529 : vector<16xf32>
      %add3A_531 = arith.constant 1.000000e+00 : f32
      %add3A_532 = vector.broadcast %add3A_531 : f32 to vector<16xf32>
      %add3A_533 = arith.addf %exp3A_530, %add3A_532 : vector<16xf32>
      %div3A_534 = arith.constant 2.000000e+00 : f32
      %div3A_535 = vector.broadcast %div3A_534 : f32 to vector<16xf32>
      %div3A_536 = arith.divf %div3A_535, %add3A_533 : vector<16xf32>
      %sub3A_537 = arith.constant 1.000000e+00 : f32
      %sub3A_538 = vector.broadcast %sub3A_537 : f32 to vector<16xf32>
      %sub3A_539 = arith.subf %sub3A_538, %div3A_536 : vector<16xf32>
      %swap3A_540 = arith.constant 496 : index
      %swap3A_541 = tpu.vector_load %arg4[%swap3A_540] {strides = array<i32>} : memref<1152xf32, #tpu.memory_space<vmem>>, vector<16xf32>,
      tpu.vector_store %arg4[%swap3A_540], %sub3A_539 {strides = array<i32>} : memref<1152xf32, #tpu.memory_space<vmem>>, vector<16xf32>,
      %get3A_542 = arith.constant 512 : index
      %get3A_543 = tpu.vector_load %arg4[%get3A_542] {strides = array<i32>} : memref<1152xf32, #tpu.memory_space<vmem>>, vector<16xf32>,
      %mul3A_544 = arith.constant 2.000000e+00 : f32
      %mul3A_545 = vector.broadcast %mul3A_544 : f32 to vector<16xf32>
      %mul3A_546 = arith.mulf %mul3A_545, %get3A_543 : vector<16xf32>
      %exp3A_547 = math.exp %mul3A_546 : vector<16xf32>
      %add3A_548 = arith.constant 1.000000e+00 : f32
      %add3A_549 = vector.broadcast %add3A_548 : f32 to vector<16xf32>
      %add3A_550 = arith.addf %exp3A_547, %add3A_549 : vector<16xf32>
      %div3A_551 = arith.constant 2.000000e+00 : f32
      %div3A_552 = vector.broadcast %div3A_551 : f32 to vector<16xf32>
      %div3A_553 = arith.divf %div3A_552, %add3A_550 : vector<16xf32>
      %sub3A_554 = arith.constant 1.000000e+00 : f32
      %sub3A_555 = vector.broadcast %sub3A_554 : f32 to vector<16xf32>
      %sub3A_556 = arith.subf %sub3A_555, %div3A_553 : vector<16xf32>
      %swap3A_557 = arith.constant 512 : index
      %swap3A_558 = tpu.vector_load %arg4[%swap3A_557] {strides = array<i32>} : memref<1152xf32, #tpu.memory_space<vmem>>, vector<16xf32>,
      tpu.vector_store %arg4[%swap3A_557], %sub3A_556 {strides = array<i32>} : memref<1152xf32, #tpu.memory_space<vmem>>, vector<16xf32>,
      %get3A_559 = arith.constant 528 : index
      %get3A_560 = tpu.vector_load %arg4[%get3A_559] {strides = array<i32>} : memref<1152xf32, #tpu.memory_space<vmem>>, vector<16xf32>,
      %mul3A_561 = arith.constant 2.000000e+00 : f32
      %mul3A_562 = vector.broadcast %mul3A_561 : f32 to vector<16xf32>
      %mul3A_563 = arith.mulf %mul3A_562, %get3A_560 : vector<16xf32>
      %exp3A_564 = math.exp %mul3A_563 : vector<16xf32>
      %add3A_565 = arith.constant 1.000000e+00 : f32
      %add3A_566 = vector.broadcast %add3A_565 : f32 to vector<16xf32>
      %add3A_567 = arith.addf %exp3A_564, %add3A_566 : vector<16xf32>
      %div3A_568 = arith.constant 2.000000e+00 : f32
      %div3A_569 = vector.broadcast %div3A_568 : f32 to vector<16xf32>
      %div3A_570 = arith.divf %div3A_569, %add3A_567 : vector<16xf32>
      %sub3A_571 = arith.constant 1.000000e+00 : f32
      %sub3A_572 = vector.broadcast %sub3A_571 : f32 to vector<16xf32>
      %sub3A_573 = arith.subf %sub3A_572, %div3A_570 : vector<16xf32>
      %swap3A_574 = arith.constant 528 : index
      %swap3A_575 = tpu.vector_load %arg4[%swap3A_574] {strides = array<i32>} : memref<1152xf32, #tpu.memory_space<vmem>>, vector<16xf32>,
      tpu.vector_store %arg4[%swap3A_574], %sub3A_573 {strides = array<i32>} : memref<1152xf32, #tpu.memory_space<vmem>>, vector<16xf32>,
      %get3A_576 = arith.constant 544 : index
      %get3A_577 = tpu.vector_load %arg4[%get3A_576] {strides = array<i32>} : memref<1152xf32, #tpu.memory_space<vmem>>, vector<16xf32>,
      %mul3A_578 = arith.constant 2.000000e+00 : f32
      %mul3A_579 = vector.broadcast %mul3A_578 : f32 to vector<16xf32>
      %mul3A_580 = arith.mulf %mul3A_579, %get3A_577 : vector<16xf32>
      %exp3A_581 = math.exp %mul3A_580 : vector<16xf32>
      %add3A_582 = arith.constant 1.000000e+00 : f32
      %add3A_583 = vector.broadcast %add3A_582 : f32 to vector<16xf32>
      %add3A_584 = arith.addf %exp3A_581, %add3A_583 : vector<16xf32>
      %div3A_585 = arith.constant 2.000000e+00 : f32
      %div3A_586 = vector.broadcast %div3A_585 : f32 to vector<16xf32>
      %div3A_587 = arith.divf %div3A_586, %add3A_584 : vector<16xf32>
      %sub3A_588 = arith.constant 1.000000e+00 : f32
      %sub3A_589 = vector.broadcast %sub3A_588 : f32 to vector<16xf32>
      %sub3A_590 = arith.subf %sub3A_589, %div3A_587 : vector<16xf32>
      %swap3A_591 = arith.constant 544 : index
      %swap3A_592 = tpu.vector_load %arg4[%swap3A_591] {strides = array<i32>} : memref<1152xf32, #tpu.memory_space<vmem>>, vector<16xf32>,
      tpu.vector_store %arg4[%swap3A_591], %sub3A_590 {strides = array<i32>} : memref<1152xf32, #tpu.memory_space<vmem>>, vector<16xf32>,
      %get3A_593 = arith.constant 560 : index
      %get3A_594 = tpu.vector_load %arg4[%get3A_593] {strides = array<i32>} : memref<1152xf32, #tpu.memory_space<vmem>>, vector<16xf32>,
      %mul3A_595 = arith.constant 2.000000e+00 : f32
      %mul3A_596 = vector.broadcast %mul3A_595 : f32 to vector<16xf32>
      %mul3A_597 = arith.mulf %mul3A_596, %get3A_594 : vector<16xf32>
      %exp3A_598 = math.exp %mul3A_597 : vector<16xf32>
      %add3A_599 = arith.constant 1.000000e+00 : f32
      %add3A_600 = vector.broadcast %add3A_599 : f32 to vector<16xf32>
      %add3A_601 = arith.addf %exp3A_598, %add3A_600 : vector<16xf32>
      %div3A_602 = arith.constant 2.000000e+00 : f32
      %div3A_603 = vector.broadcast %div3A_602 : f32 to vector<16xf32>
      %div3A_604 = arith.divf %div3A_603, %add3A_601 : vector<16xf32>
      %sub3A_605 = arith.constant 1.000000e+00 : f32
      %sub3A_606 = vector.broadcast %sub3A_605 : f32 to vector<16xf32>
      %sub3A_607 = arith.subf %sub3A_606, %div3A_604 : vector<16xf32>
      %swap3A_608 = arith.constant 560 : index
      %swap3A_609 = tpu.vector_load %arg4[%swap3A_608] {strides = array<i32>} : memref<1152xf32, #tpu.memory_space<vmem>>, vector<16xf32>,
      tpu.vector_store %arg4[%swap3A_608], %sub3A_607 {strides = array<i32>} : memref<1152xf32, #tpu.memory_space<vmem>>, vector<16xf32>,
      %get3A_610 = arith.constant 576 : index
      %get3A_611 = tpu.vector_load %arg4[%get3A_610] {strides = array<i32>} : memref<1152xf32, #tpu.memory_space<vmem>>, vector<16xf32>,
      %mul3A_612 = arith.constant 2.000000e+00 : f32
      %mul3A_613 = vector.broadcast %mul3A_612 : f32 to vector<16xf32>
      %mul3A_614 = arith.mulf %mul3A_613, %get3A_611 : vector<16xf32>
      %exp3A_615 = math.exp %mul3A_614 : vector<16xf32>
      %add3A_616 = arith.constant 1.000000e+00 : f32
      %add3A_617 = vector.broadcast %add3A_616 : f32 to vector<16xf32>
      %add3A_618 = arith.addf %exp3A_615, %add3A_617 : vector<16xf32>
      %div3A_619 = arith.constant 2.000000e+00 : f32
      %div3A_620 = vector.broadcast %div3A_619 : f32 to vector<16xf32>
      %div3A_621 = arith.divf %div3A_620, %add3A_618 : vector<16xf32>
      %sub3A_622 = arith.constant 1.000000e+00 : f32
      %sub3A_623 = vector.broadcast %sub3A_622 : f32 to vector<16xf32>
      %sub3A_624 = arith.subf %sub3A_623, %div3A_621 : vector<16xf32>
      %swap3A_625 = arith.constant 576 : index
      %swap3A_626 = tpu.vector_load %arg4[%swap3A_625] {strides = array<i32>} : memref<1152xf32, #tpu.memory_space<vmem>>, vector<16xf32>,
      tpu.vector_store %arg4[%swap3A_625], %sub3A_624 {strides = array<i32>} : memref<1152xf32, #tpu.memory_space<vmem>>, vector<16xf32>,
      %get3A_627 = arith.constant 592 : index
      %get3A_628 = tpu.vector_load %arg4[%get3A_627] {strides = array<i32>} : memref<1152xf32, #tpu.memory_space<vmem>>, vector<16xf32>,
      %mul3A_629 = arith.constant 2.000000e+00 : f32
      %mul3A_630 = vector.broadcast %mul3A_629 : f32 to vector<16xf32>
      %mul3A_631 = arith.mulf %mul3A_630, %get3A_628 : vector<16xf32>
      %exp3A_632 = math.exp %mul3A_631 : vector<16xf32>
      %add3A_633 = arith.constant 1.000000e+00 : f32
      %add3A_634 = vector.broadcast %add3A_633 : f32 to vector<16xf32>
      %add3A_635 = arith.addf %exp3A_632, %add3A_634 : vector<16xf32>
      %div3A_636 = arith.constant 2.000000e+00 : f32
      %div3A_637 = vector.broadcast %div3A_636 : f32 to vector<16xf32>
      %div3A_638 = arith.divf %div3A_637, %add3A_635 : vector<16xf32>
      %sub3A_639 = arith.constant 1.000000e+00 : f32
      %sub3A_640 = vector.broadcast %sub3A_639 : f32 to vector<16xf32>
      %sub3A_641 = arith.subf %sub3A_640, %div3A_638 : vector<16xf32>
      %swap3A_642 = arith.constant 592 : index
      %swap3A_643 = tpu.vector_load %arg4[%swap3A_642] {strides = array<i32>} : memref<1152xf32, #tpu.memory_space<vmem>>, vector<16xf32>,
      tpu.vector_store %arg4[%swap3A_642], %sub3A_641 {strides = array<i32>} : memref<1152xf32, #tpu.memory_space<vmem>>, vector<16xf32>,
      %get3A_644 = arith.constant 608 : index
      %get3A_645 = tpu.vector_load %arg4[%get3A_644] {strides = array<i32>} : memref<1152xf32, #tpu.memory_space<vmem>>, vector<16xf32>,
      %mul3A_646 = arith.constant 2.000000e+00 : f32
      %mul3A_647 = vector.broadcast %mul3A_646 : f32 to vector<16xf32>
      %mul3A_648 = arith.mulf %mul3A_647, %get3A_645 : vector<16xf32>
      %exp3A_649 = math.exp %mul3A_648 : vector<16xf32>
      %add3A_650 = arith.constant 1.000000e+00 : f32
      %add3A_651 = vector.broadcast %add3A_650 : f32 to vector<16xf32>
      %add3A_652 = arith.addf %exp3A_649, %add3A_651 : vector<16xf32>
      %div3A_653 = arith.constant 2.000000e+00 : f32
      %div3A_654 = vector.broadcast %div3A_653 : f32 to vector<16xf32>
      %div3A_655 = arith.divf %div3A_654, %add3A_652 : vector<16xf32>
      %sub3A_656 = arith.constant 1.000000e+00 : f32
      %sub3A_657 = vector.broadcast %sub3A_656 : f32 to vector<16xf32>
      %sub3A_658 = arith.subf %sub3A_657, %div3A_655 : vector<16xf32>
      %swap3A_659 = arith.constant 608 : index
      %swap3A_660 = tpu.vector_load %arg4[%swap3A_659] {strides = array<i32>} : memref<1152xf32, #tpu.memory_space<vmem>>, vector<16xf32>,
      tpu.vector_store %arg4[%swap3A_659], %sub3A_658 {strides = array<i32>} : memref<1152xf32, #tpu.memory_space<vmem>>, vector<16xf32>,
      %get3A_661 = arith.constant 624 : index
      %get3A_662 = tpu.vector_load %arg4[%get3A_661] {strides = array<i32>} : memref<1152xf32, #tpu.memory_space<vmem>>, vector<16xf32>,
      %mul3A_663 = arith.constant 2.000000e+00 : f32
      %mul3A_664 = vector.broadcast %mul3A_663 : f32 to vector<16xf32>
      %mul3A_665 = arith.mulf %mul3A_664, %get3A_662 : vector<16xf32>
      %exp3A_666 = math.exp %mul3A_665 : vector<16xf32>
      %add3A_667 = arith.constant 1.000000e+00 : f32
      %add3A_668 = vector.broadcast %add3A_667 : f32 to vector<16xf32>
      %add3A_669 = arith.addf %exp3A_666, %add3A_668 : vector<16xf32>
      %div3A_670 = arith.constant 2.000000e+00 : f32
      %div3A_671 = vector.broadcast %div3A_670 : f32 to vector<16xf32>
      %div3A_672 = arith.divf %div3A_671, %add3A_669 : vector<16xf32>
      %sub3A_673 = arith.constant 1.000000e+00 : f32
      %sub3A_674 = vector.broadcast %sub3A_673 : f32 to vector<16xf32>
      %sub3A_675 = arith.subf %sub3A_674, %div3A_672 : vector<16xf32>
      %swap3A_676 = arith.constant 624 : index
      %swap3A_677 = tpu.vector_load %arg4[%swap3A_676] {strides = array<i32>} : memref<1152xf32, #tpu.memory_space<vmem>>, vector<16xf32>,
      tpu.vector_store %arg4[%swap3A_676], %sub3A_675 {strides = array<i32>} : memref<1152xf32, #tpu.memory_space<vmem>>, vector<16xf32>,
      %get3A_678 = arith.constant 640 : index
      %get3A_679 = tpu.vector_load %arg4[%get3A_678] {strides = array<i32>} : memref<1152xf32, #tpu.memory_space<vmem>>, vector<16xf32>,
      %mul3A_680 = arith.constant 2.000000e+00 : f32
      %mul3A_681 = vector.broadcast %mul3A_680 : f32 to vector<16xf32>
      %mul3A_682 = arith.mulf %mul3A_681, %get3A_679 : vector<16xf32>
      %exp3A_683 = math.exp %mul3A_682 : vector<16xf32>
      %add3A_684 = arith.constant 1.000000e+00 : f32
      %add3A_685 = vector.broadcast %add3A_684 : f32 to vector<16xf32>
      %add3A_686 = arith.addf %exp3A_683, %add3A_685 : vector<16xf32>
      %div3A_687 = arith.constant 2.000000e+00 : f32
      %div3A_688 = vector.broadcast %div3A_687 : f32 to vector<16xf32>
      %div3A_689 = arith.divf %div3A_688, %add3A_686 : vector<16xf32>
      %sub3A_690 = arith.constant 1.000000e+00 : f32
      %sub3A_691 = vector.broadcast %sub3A_690 : f32 to vector<16xf32>
      %sub3A_692 = arith.subf %sub3A_691, %div3A_689 : vector<16xf32>
      %swap3A_693 = arith.constant 640 : index
      %swap3A_694 = tpu.vector_load %arg4[%swap3A_693] {strides = array<i32>} : memref<1152xf32, #tpu.memory_space<vmem>>, vector<16xf32>,
      tpu.vector_store %arg4[%swap3A_693], %sub3A_692 {strides = array<i32>} : memref<1152xf32, #tpu.memory_space<vmem>>, vector<16xf32>,
      %get3A_695 = arith.constant 656 : index
      %get3A_696 = tpu.vector_load %arg4[%get3A_695] {strides = array<i32>} : memref<1152xf32, #tpu.memory_space<vmem>>, vector<16xf32>,
      %mul3A_697 = arith.constant 2.000000e+00 : f32
      %mul3A_698 = vector.broadcast %mul3A_697 : f32 to vector<16xf32>
      %mul3A_699 = arith.mulf %mul3A_698, %get3A_696 : vector<16xf32>
      %exp3A_700 = math.exp %mul3A_699 : vector<16xf32>
      %add3A_701 = arith.constant 1.000000e+00 : f32
      %add3A_702 = vector.broadcast %add3A_701 : f32 to vector<16xf32>
      %add3A_703 = arith.addf %exp3A_700, %add3A_702 : vector<16xf32>
      %div3A_704 = arith.constant 2.000000e+00 : f32
      %div3A_705 = vector.broadcast %div3A_704 : f32 to vector<16xf32>
      %div3A_706 = arith.divf %div3A_705, %add3A_703 : vector<16xf32>
      %sub3A_707 = arith.constant 1.000000e+00 : f32
      %sub3A_708 = vector.broadcast %sub3A_707 : f32 to vector<16xf32>
      %sub3A_709 = arith.subf %sub3A_708, %div3A_706 : vector<16xf32>
      %swap3A_710 = arith.constant 656 : index
      %swap3A_711 = tpu.vector_load %arg4[%swap3A_710] {strides = array<i32>} : memref<1152xf32, #tpu.memory_space<vmem>>, vector<16xf32>,
      tpu.vector_store %arg4[%swap3A_710], %sub3A_709 {strides = array<i32>} : memref<1152xf32, #tpu.memory_space<vmem>>, vector<16xf32>,
      %get3A_712 = arith.constant 672 : index
      %get3A_713 = tpu.vector_load %arg4[%get3A_712] {strides = array<i32>} : memref<1152xf32, #tpu.memory_space<vmem>>, vector<16xf32>,
      %mul3A_714 = arith.constant 2.000000e+00 : f32
      %mul3A_715 = vector.broadcast %mul3A_714 : f32 to vector<16xf32>
      %mul3A_716 = arith.mulf %mul3A_715, %get3A_713 : vector<16xf32>
      %exp3A_717 = math.exp %mul3A_716 : vector<16xf32>
      %add3A_718 = arith.constant 1.000000e+00 : f32
      %add3A_719 = vector.broadcast %add3A_718 : f32 to vector<16xf32>
      %add3A_720 = arith.addf %exp3A_717, %add3A_719 : vector<16xf32>
      %div3A_721 = arith.constant 2.000000e+00 : f32
      %div3A_722 = vector.broadcast %div3A_721 : f32 to vector<16xf32>
      %div3A_723 = arith.divf %div3A_722, %add3A_720 : vector<16xf32>
      %sub3A_724 = arith.constant 1.000000e+00 : f32
      %sub3A_725 = vector.broadcast %sub3A_724 : f32 to vector<16xf32>
      %sub3A_726 = arith.subf %sub3A_725, %div3A_723 : vector<16xf32>
      %swap3A_727 = arith.constant 672 : index
      %swap3A_728 = tpu.vector_load %arg4[%swap3A_727] {strides = array<i32>} : memref<1152xf32, #tpu.memory_space<vmem>>, vector<16xf32>,
      tpu.vector_store %arg4[%swap3A_727], %sub3A_726 {strides = array<i32>} : memref<1152xf32, #tpu.memory_space<vmem>>, vector<16xf32>,
      %get3A_729 = arith.constant 688 : index
      %get3A_730 = tpu.vector_load %arg4[%get3A_729] {strides = array<i32>} : memref<1152xf32, #tpu.memory_space<vmem>>, vector<16xf32>,
      %mul3A_731 = arith.constant 2.000000e+00 : f32
      %mul3A_732 = vector.broadcast %mul3A_731 : f32 to vector<16xf32>
      %mul3A_733 = arith.mulf %mul3A_732, %get3A_730 : vector<16xf32>
      %exp3A_734 = math.exp %mul3A_733 : vector<16xf32>
      %add3A_735 = arith.constant 1.000000e+00 : f32
      %add3A_736 = vector.broadcast %add3A_735 : f32 to vector<16xf32>
      %add3A_737 = arith.addf %exp3A_734, %add3A_736 : vector<16xf32>
      %div3A_738 = arith.constant 2.000000e+00 : f32
      %div3A_739 = vector.broadcast %div3A_738 : f32 to vector<16xf32>
      %div3A_740 = arith.divf %div3A_739, %add3A_737 : vector<16xf32>
      %sub3A_741 = arith.constant 1.000000e+00 : f32
      %sub3A_742 = vector.broadcast %sub3A_741 : f32 to vector<16xf32>
      %sub3A_743 = arith.subf %sub3A_742, %div3A_740 : vector<16xf32>
      %swap3A_744 = arith.constant 688 : index
      %swap3A_745 = tpu.vector_load %arg4[%swap3A_744] {strides = array<i32>} : memref<1152xf32, #tpu.memory_space<vmem>>, vector<16xf32>,
      tpu.vector_store %arg4[%swap3A_744], %sub3A_743 {strides = array<i32>} : memref<1152xf32, #tpu.memory_space<vmem>>, vector<16xf32>,
      %get3A_746 = arith.constant 704 : index
      %get3A_747 = tpu.vector_load %arg4[%get3A_746] {strides = array<i32>} : memref<1152xf32, #tpu.memory_space<vmem>>, vector<16xf32>,
      %mul3A_748 = arith.constant 2.000000e+00 : f32
      %mul3A_749 = vector.broadcast %mul3A_748 : f32 to vector<16xf32>
      %mul3A_750 = arith.mulf %mul3A_749, %get3A_747 : vector<16xf32>
      %exp3A_751 = math.exp %mul3A_750 : vector<16xf32>
      %add3A_752 = arith.constant 1.000000e+00 : f32
      %add3A_753 = vector.broadcast %add3A_752 : f32 to vector<16xf32>
      %add3A_754 = arith.addf %exp3A_751, %add3A_753 : vector<16xf32>
      %div3A_755 = arith.constant 2.000000e+00 : f32
      %div3A_756 = vector.broadcast %div3A_755 : f32 to vector<16xf32>
      %div3A_757 = arith.divf %div3A_756, %add3A_754 : vector<16xf32>
      %sub3A_758 = arith.constant 1.000000e+00 : f32
      %sub3A_759 = vector.broadcast %sub3A_758 : f32 to vector<16xf32>
      %sub3A_760 = arith.subf %sub3A_759, %div3A_757 : vector<16xf32>
      %swap3A_761 = arith.constant 704 : index
      %swap3A_762 = tpu.vector_load %arg4[%swap3A_761] {strides = array<i32>} : memref<1152xf32, #tpu.memory_space<vmem>>, vector<16xf32>,
      tpu.vector_store %arg4[%swap3A_761], %sub3A_760 {strides = array<i32>} : memref<1152xf32, #tpu.memory_space<vmem>>, vector<16xf32>,
      %get3A_763 = arith.constant 720 : index
      %get3A_764 = tpu.vector_load %arg4[%get3A_763] {strides = array<i32>} : memref<1152xf32, #tpu.memory_space<vmem>>, vector<16xf32>,
      %mul3A_765 = arith.constant 2.000000e+00 : f32
      %mul3A_766 = vector.broadcast %mul3A_765 : f32 to vector<16xf32>
      %mul3A_767 = arith.mulf %mul3A_766, %get3A_764 : vector<16xf32>
      %exp3A_768 = math.exp %mul3A_767 : vector<16xf32>
      %add3A_769 = arith.constant 1.000000e+00 : f32
      %add3A_770 = vector.broadcast %add3A_769 : f32 to vector<16xf32>
      %add3A_771 = arith.addf %exp3A_768, %add3A_770 : vector<16xf32>
      %div3A_772 = arith.constant 2.000000e+00 : f32
      %div3A_773 = vector.broadcast %div3A_772 : f32 to vector<16xf32>
      %div3A_774 = arith.divf %div3A_773, %add3A_771 : vector<16xf32>
      %sub3A_775 = arith.constant 1.000000e+00 : f32
      %sub3A_776 = vector.broadcast %sub3A_775 : f32 to vector<16xf32>
      %sub3A_777 = arith.subf %sub3A_776, %div3A_774 : vector<16xf32>
      %swap3A_778 = arith.constant 720 : index
      %swap3A_779 = tpu.vector_load %arg4[%swap3A_778] {strides = array<i32>} : memref<1152xf32, #tpu.memory_space<vmem>>, vector<16xf32>,
      tpu.vector_store %arg4[%swap3A_778], %sub3A_777 {strides = array<i32>} : memref<1152xf32, #tpu.memory_space<vmem>>, vector<16xf32>,
      %get3A_780 = arith.constant 736 : index
      %get3A_781 = tpu.vector_load %arg4[%get3A_780] {strides = array<i32>} : memref<1152xf32, #tpu.memory_space<vmem>>, vector<16xf32>,
      %mul3A_782 = arith.constant 2.000000e+00 : f32
      %mul3A_783 = vector.broadcast %mul3A_782 : f32 to vector<16xf32>
      %mul3A_784 = arith.mulf %mul3A_783, %get3A_781 : vector<16xf32>
      %exp3A_785 = math.exp %mul3A_784 : vector<16xf32>
      %add3A_786 = arith.constant 1.000000e+00 : f32
      %add3A_787 = vector.broadcast %add3A_786 : f32 to vector<16xf32>
      %add3A_788 = arith.addf %exp3A_785, %add3A_787 : vector<16xf32>
      %div3A_789 = arith.constant 2.000000e+00 : f32
      %div3A_790 = vector.broadcast %div3A_789 : f32 to vector<16xf32>
      %div3A_791 = arith.divf %div3A_790, %add3A_788 : vector<16xf32>
      %sub3A_792 = arith.constant 1.000000e+00 : f32
      %sub3A_793 = vector.broadcast %sub3A_792 : f32 to vector<16xf32>
      %sub3A_794 = arith.subf %sub3A_793, %div3A_791 : vector<16xf32>
      %swap3A_795 = arith.constant 736 : index
      %swap3A_796 = tpu.vector_load %arg4[%swap3A_795] {strides = array<i32>} : memref<1152xf32, #tpu.memory_space<vmem>>, vector<16xf32>,
      tpu.vector_store %arg4[%swap3A_795], %sub3A_794 {strides = array<i32>} : memref<1152xf32, #tpu.memory_space<vmem>>, vector<16xf32>,
      %get3A_797 = arith.constant 752 : index
      %get3A_798 = tpu.vector_load %arg4[%get3A_797] {strides = array<i32>} : memref<1152xf32, #tpu.memory_space<vmem>>, vector<16xf32>,
      %mul3A_799 = arith.constant 2.000000e+00 : f32
      %mul3A_800 = vector.broadcast %mul3A_799 : f32 to vector<16xf32>
      %mul3A_801 = arith.mulf %mul3A_800, %get3A_798 : vector<16xf32>
      %exp3A_802 = math.exp %mul3A_801 : vector<16xf32>
      %add3A_803 = arith.constant 1.000000e+00 : f32
      %add3A_804 = vector.broadcast %add3A_803 : f32 to vector<16xf32>
      %add3A_805 = arith.addf %exp3A_802, %add3A_804 : vector<16xf32>
      %div3A_806 = arith.constant 2.000000e+00 : f32
      %div3A_807 = vector.broadcast %div3A_806 : f32 to vector<16xf32>
      %div3A_808 = arith.divf %div3A_807, %add3A_805 : vector<16xf32>
      %sub3A_809 = arith.constant 1.000000e+00 : f32
      %sub3A_810 = vector.broadcast %sub3A_809 : f32 to vector<16xf32>
      %sub3A_811 = arith.subf %sub3A_810, %div3A_808 : vector<16xf32>
      %swap3A_812 = arith.constant 752 : index
      %swap3A_813 = tpu.vector_load %arg4[%swap3A_812] {strides = array<i32>} : memref<1152xf32, #tpu.memory_space<vmem>>, vector<16xf32>,
      tpu.vector_store %arg4[%swap3A_812], %sub3A_811 {strides = array<i32>} : memref<1152xf32, #tpu.memory_space<vmem>>, vector<16xf32>,
      %get3A_814 = arith.constant 768 : index
      %get3A_815 = tpu.vector_load %arg4[%get3A_814] {strides = array<i32>} : memref<1152xf32, #tpu.memory_space<vmem>>, vector<16xf32>,
      %mul3A_816 = arith.constant 2.000000e+00 : f32
      %mul3A_817 = vector.broadcast %mul3A_816 : f32 to vector<16xf32>
      %mul3A_818 = arith.mulf %mul3A_817, %get3A_815 : vector<16xf32>
      %exp3A_819 = math.exp %mul3A_818 : vector<16xf32>
      %add3A_820 = arith.constant 1.000000e+00 : f32
      %add3A_821 = vector.broadcast %add3A_820 : f32 to vector<16xf32>
      %add3A_822 = arith.addf %exp3A_819, %add3A_821 : vector<16xf32>
      %div3A_823 = arith.constant 2.000000e+00 : f32
      %div3A_824 = vector.broadcast %div3A_823 : f32 to vector<16xf32>
      %div3A_825 = arith.divf %div3A_824, %add3A_822 : vector<16xf32>
      %sub3A_826 = arith.constant 1.000000e+00 : f32
      %sub3A_827 = vector.broadcast %sub3A_826 : f32 to vector<16xf32>
      %sub3A_828 = arith.subf %sub3A_827, %div3A_825 : vector<16xf32>
      %swap3A_829 = arith.constant 768 : index
      %swap3A_830 = tpu.vector_load %arg4[%swap3A_829] {strides = array<i32>} : memref<1152xf32, #tpu.memory_space<vmem>>, vector<16xf32>,
      tpu.vector_store %arg4[%swap3A_829], %sub3A_828 {strides = array<i32>} : memref<1152xf32, #tpu.memory_space<vmem>>, vector<16xf32>,
      %get3A_831 = arith.constant 784 : index
      %get3A_832 = tpu.vector_load %arg4[%get3A_831] {strides = array<i32>} : memref<1152xf32, #tpu.memory_space<vmem>>, vector<16xf32>,
      %mul3A_833 = arith.constant 2.000000e+00 : f32
      %mul3A_834 = vector.broadcast %mul3A_833 : f32 to vector<16xf32>
      %mul3A_835 = arith.mulf %mul3A_834, %get3A_832 : vector<16xf32>
      %exp3A_836 = math.exp %mul3A_835 : vector<16xf32>
      %add3A_837 = arith.constant 1.000000e+00 : f32
      %add3A_838 = vector.broadcast %add3A_837 : f32 to vector<16xf32>
      %add3A_839 = arith.addf %exp3A_836, %add3A_838 : vector<16xf32>
      %div3A_840 = arith.constant 2.000000e+00 : f32
      %div3A_841 = vector.broadcast %div3A_840 : f32 to vector<16xf32>
      %div3A_842 = arith.divf %div3A_841, %add3A_839 : vector<16xf32>
      %sub3A_843 = arith.constant 1.000000e+00 : f32
      %sub3A_844 = vector.broadcast %sub3A_843 : f32 to vector<16xf32>
      %sub3A_845 = arith.subf %sub3A_844, %div3A_842 : vector<16xf32>
      %swap3A_846 = arith.constant 784 : index
      %swap3A_847 = tpu.vector_load %arg4[%swap3A_846] {strides = array<i32>} : memref<1152xf32, #tpu.memory_space<vmem>>, vector<16xf32>,
      tpu.vector_store %arg4[%swap3A_846], %sub3A_845 {strides = array<i32>} : memref<1152xf32, #tpu.memory_space<vmem>>, vector<16xf32>,
      %get3A_848 = arith.constant 800 : index
      %get3A_849 = tpu.vector_load %arg4[%get3A_848] {strides = array<i32>} : memref<1152xf32, #tpu.memory_space<vmem>>, vector<16xf32>,
      %mul3A_850 = arith.constant 2.000000e+00 : f32
      %mul3A_851 = vector.broadcast %mul3A_850 : f32 to vector<16xf32>
      %mul3A_852 = arith.mulf %mul3A_851, %get3A_849 : vector<16xf32>
      %exp3A_853 = math.exp %mul3A_852 : vector<16xf32>
      %add3A_854 = arith.constant 1.000000e+00 : f32
      %add3A_855 = vector.broadcast %add3A_854 : f32 to vector<16xf32>
      %add3A_856 = arith.addf %exp3A_853, %add3A_855 : vector<16xf32>
      %div3A_857 = arith.constant 2.000000e+00 : f32
      %div3A_858 = vector.broadcast %div3A_857 : f32 to vector<16xf32>
      %div3A_859 = arith.divf %div3A_858, %add3A_856 : vector<16xf32>
      %sub3A_860 = arith.constant 1.000000e+00 : f32
      %sub3A_861 = vector.broadcast %sub3A_860 : f32 to vector<16xf32>
      %sub3A_862 = arith.subf %sub3A_861, %div3A_859 : vector<16xf32>
      %swap3A_863 = arith.constant 800 : index
      %swap3A_864 = tpu.vector_load %arg4[%swap3A_863] {strides = array<i32>} : memref<1152xf32, #tpu.memory_space<vmem>>, vector<16xf32>,
      tpu.vector_store %arg4[%swap3A_863], %sub3A_862 {strides = array<i32>} : memref<1152xf32, #tpu.memory_space<vmem>>, vector<16xf32>,
      %get3A_865 = arith.constant 816 : index
      %get3A_866 = tpu.vector_load %arg4[%get3A_865] {strides = array<i32>} : memref<1152xf32, #tpu.memory_space<vmem>>, vector<16xf32>,
      %mul3A_867 = arith.constant 2.000000e+00 : f32
      %mul3A_868 = vector.broadcast %mul3A_867 : f32 to vector<16xf32>
      %mul3A_869 = arith.mulf %mul3A_868, %get3A_866 : vector<16xf32>
      %exp3A_870 = math.exp %mul3A_869 : vector<16xf32>
      %add3A_871 = arith.constant 1.000000e+00 : f32
      %add3A_872 = vector.broadcast %add3A_871 : f32 to vector<16xf32>
      %add3A_873 = arith.addf %exp3A_870, %add3A_872 : vector<16xf32>
      %div3A_874 = arith.constant 2.000000e+00 : f32
      %div3A_875 = vector.broadcast %div3A_874 : f32 to vector<16xf32>
      %div3A_876 = arith.divf %div3A_875, %add3A_873 : vector<16xf32>
      %sub3A_877 = arith.constant 1.000000e+00 : f32
      %sub3A_878 = vector.broadcast %sub3A_877 : f32 to vector<16xf32>
      %sub3A_879 = arith.subf %sub3A_878, %div3A_876 : vector<16xf32>
      %swap3A_880 = arith.constant 816 : index
      %swap3A_881 = tpu.vector_load %arg4[%swap3A_880] {strides = array<i32>} : memref<1152xf32, #tpu.memory_space<vmem>>, vector<16xf32>,
      tpu.vector_store %arg4[%swap3A_880], %sub3A_879 {strides = array<i32>} : memref<1152xf32, #tpu.memory_space<vmem>>, vector<16xf32>,
      %get3A_882 = arith.constant 832 : index
      %get3A_883 = tpu.vector_load %arg4[%get3A_882] {strides = array<i32>} : memref<1152xf32, #tpu.memory_space<vmem>>, vector<16xf32>,
      %mul3A_884 = arith.constant 2.000000e+00 : f32
      %mul3A_885 = vector.broadcast %mul3A_884 : f32 to vector<16xf32>
      %mul3A_886 = arith.mulf %mul3A_885, %get3A_883 : vector<16xf32>
      %exp3A_887 = math.exp %mul3A_886 : vector<16xf32>
      %add3A_888 = arith.constant 1.000000e+00 : f32
      %add3A_889 = vector.broadcast %add3A_888 : f32 to vector<16xf32>
      %add3A_890 = arith.addf %exp3A_887, %add3A_889 : vector<16xf32>
      %div3A_891 = arith.constant 2.000000e+00 : f32
      %div3A_892 = vector.broadcast %div3A_891 : f32 to vector<16xf32>
      %div3A_893 = arith.divf %div3A_892, %add3A_890 : vector<16xf32>
      %sub3A_894 = arith.constant 1.000000e+00 : f32
      %sub3A_895 = vector.broadcast %sub3A_894 : f32 to vector<16xf32>
      %sub3A_896 = arith.subf %sub3A_895, %div3A_893 : vector<16xf32>
      %swap3A_897 = arith.constant 832 : index
      %swap3A_898 = tpu.vector_load %arg4[%swap3A_897] {strides = array<i32>} : memref<1152xf32, #tpu.memory_space<vmem>>, vector<16xf32>,
      tpu.vector_store %arg4[%swap3A_897], %sub3A_896 {strides = array<i32>} : memref<1152xf32, #tpu.memory_space<vmem>>, vector<16xf32>,
      %get3A_899 = arith.constant 848 : index
      %get3A_900 = tpu.vector_load %arg4[%get3A_899] {strides = array<i32>} : memref<1152xf32, #tpu.memory_space<vmem>>, vector<16xf32>,
      %mul3A_901 = arith.constant 2.000000e+00 : f32
      %mul3A_902 = vector.broadcast %mul3A_901 : f32 to vector<16xf32>
      %mul3A_903 = arith.mulf %mul3A_902, %get3A_900 : vector<16xf32>
      %exp3A_904 = math.exp %mul3A_903 : vector<16xf32>
      %add3A_905 = arith.constant 1.000000e+00 : f32
      %add3A_906 = vector.broadcast %add3A_905 : f32 to vector<16xf32>
      %add3A_907 = arith.addf %exp3A_904, %add3A_906 : vector<16xf32>
      %div3A_908 = arith.constant 2.000000e+00 : f32
      %div3A_909 = vector.broadcast %div3A_908 : f32 to vector<16xf32>
      %div3A_910 = arith.divf %div3A_909, %add3A_907 : vector<16xf32>
      %sub3A_911 = arith.constant 1.000000e+00 : f32
      %sub3A_912 = vector.broadcast %sub3A_911 : f32 to vector<16xf32>
      %sub3A_913 = arith.subf %sub3A_912, %div3A_910 : vector<16xf32>
      %swap3A_914 = arith.constant 848 : index
      %swap3A_915 = tpu.vector_load %arg4[%swap3A_914] {strides = array<i32>} : memref<1152xf32, #tpu.memory_space<vmem>>, vector<16xf32>,
      tpu.vector_store %arg4[%swap3A_914], %sub3A_913 {strides = array<i32>} : memref<1152xf32, #tpu.memory_space<vmem>>, vector<16xf32>,
      %get3A_916 = arith.constant 864 : index
      %get3A_917 = tpu.vector_load %arg4[%get3A_916] {strides = array<i32>} : memref<1152xf32, #tpu.memory_space<vmem>>, vector<16xf32>,
      %mul3A_918 = arith.constant 2.000000e+00 : f32
      %mul3A_919 = vector.broadcast %mul3A_918 : f32 to vector<16xf32>
      %mul3A_920 = arith.mulf %mul3A_919, %get3A_917 : vector<16xf32>
      %exp3A_921 = math.exp %mul3A_920 : vector<16xf32>
      %add3A_922 = arith.constant 1.000000e+00 : f32
      %add3A_923 = vector.broadcast %add3A_922 : f32 to vector<16xf32>
      %add3A_924 = arith.addf %exp3A_921, %add3A_923 : vector<16xf32>
      %div3A_925 = arith.constant 2.000000e+00 : f32
      %div3A_926 = vector.broadcast %div3A_925 : f32 to vector<16xf32>
      %div3A_927 = arith.divf %div3A_926, %add3A_924 : vector<16xf32>
      %sub3A_928 = arith.constant 1.000000e+00 : f32
      %sub3A_929 = vector.broadcast %sub3A_928 : f32 to vector<16xf32>
      %sub3A_930 = arith.subf %sub3A_929, %div3A_927 : vector<16xf32>
      %swap3A_931 = arith.constant 864 : index
      %swap3A_932 = tpu.vector_load %arg4[%swap3A_931] {strides = array<i32>} : memref<1152xf32, #tpu.memory_space<vmem>>, vector<16xf32>,
      tpu.vector_store %arg4[%swap3A_931], %sub3A_930 {strides = array<i32>} : memref<1152xf32, #tpu.memory_space<vmem>>, vector<16xf32>,
      %get3A_933 = arith.constant 880 : index
      %get3A_934 = tpu.vector_load %arg4[%get3A_933] {strides = array<i32>} : memref<1152xf32, #tpu.memory_space<vmem>>, vector<16xf32>,
      %mul3A_935 = arith.constant 2.000000e+00 : f32
      %mul3A_936 = vector.broadcast %mul3A_935 : f32 to vector<16xf32>
      %mul3A_937 = arith.mulf %mul3A_936, %get3A_934 : vector<16xf32>
      %exp3A_938 = math.exp %mul3A_937 : vector<16xf32>
      %add3A_939 = arith.constant 1.000000e+00 : f32
      %add3A_940 = vector.broadcast %add3A_939 : f32 to vector<16xf32>
      %add3A_941 = arith.addf %exp3A_938, %add3A_940 : vector<16xf32>
      %div3A_942 = arith.constant 2.000000e+00 : f32
      %div3A_943 = vector.broadcast %div3A_942 : f32 to vector<16xf32>
      %div3A_944 = arith.divf %div3A_943, %add3A_941 : vector<16xf32>
      %sub3A_945 = arith.constant 1.000000e+00 : f32
      %sub3A_946 = vector.broadcast %sub3A_945 : f32 to vector<16xf32>
      %sub3A_947 = arith.subf %sub3A_946, %div3A_944 : vector<16xf32>
      %swap3A_948 = arith.constant 880 : index
      %swap3A_949 = tpu.vector_load %arg4[%swap3A_948] {strides = array<i32>} : memref<1152xf32, #tpu.memory_space<vmem>>, vector<16xf32>,
      tpu.vector_store %arg4[%swap3A_948], %sub3A_947 {strides = array<i32>} : memref<1152xf32, #tpu.memory_space<vmem>>, vector<16xf32>,
      %get3A_950 = arith.constant 896 : index
      %get3A_951 = tpu.vector_load %arg4[%get3A_950] {strides = array<i32>} : memref<1152xf32, #tpu.memory_space<vmem>>, vector<16xf32>,
      %mul3A_952 = arith.constant 2.000000e+00 : f32
      %mul3A_953 = vector.broadcast %mul3A_952 : f32 to vector<16xf32>
      %mul3A_954 = arith.mulf %mul3A_953, %get3A_951 : vector<16xf32>
      %exp3A_955 = math.exp %mul3A_954 : vector<16xf32>
      %add3A_956 = arith.constant 1.000000e+00 : f32
      %add3A_957 = vector.broadcast %add3A_956 : f32 to vector<16xf32>
      %add3A_958 = arith.addf %exp3A_955, %add3A_957 : vector<16xf32>
      %div3A_959 = arith.constant 2.000000e+00 : f32
      %div3A_960 = vector.broadcast %div3A_959 : f32 to vector<16xf32>
      %div3A_961 = arith.divf %div3A_960, %add3A_958 : vector<16xf32>
      %sub3A_962 = arith.constant 1.000000e+00 : f32
      %sub3A_963 = vector.broadcast %sub3A_962 : f32 to vector<16xf32>
      %sub3A_964 = arith.subf %sub3A_963, %div3A_961 : vector<16xf32>
      %swap3A_965 = arith.constant 896 : index
      %swap3A_966 = tpu.vector_load %arg4[%swap3A_965] {strides = array<i32>} : memref<1152xf32, #tpu.memory_space<vmem>>, vector<16xf32>,
      tpu.vector_store %arg4[%swap3A_965], %sub3A_964 {strides = array<i32>} : memref<1152xf32, #tpu.memory_space<vmem>>, vector<16xf32>,
      %get3A_967 = arith.constant 912 : index
      %get3A_968 = tpu.vector_load %arg4[%get3A_967] {strides = array<i32>} : memref<1152xf32, #tpu.memory_space<vmem>>, vector<16xf32>,
      %mul3A_969 = arith.constant 2.000000e+00 : f32
      %mul3A_970 = vector.broadcast %mul3A_969 : f32 to vector<16xf32>
      %mul3A_971 = arith.mulf %mul3A_970, %get3A_968 : vector<16xf32>
      %exp3A_972 = math.exp %mul3A_971 : vector<16xf32>
      %add3A_973 = arith.constant 1.000000e+00 : f32
      %add3A_974 = vector.broadcast %add3A_973 : f32 to vector<16xf32>
      %add3A_975 = arith.addf %exp3A_972, %add3A_974 : vector<16xf32>
      %div3A_976 = arith.constant 2.000000e+00 : f32
      %div3A_977 = vector.broadcast %div3A_976 : f32 to vector<16xf32>
      %div3A_978 = arith.divf %div3A_977, %add3A_975 : vector<16xf32>
      %sub3A_979 = arith.constant 1.000000e+00 : f32
      %sub3A_980 = vector.broadcast %sub3A_979 : f32 to vector<16xf32>
      %sub3A_981 = arith.subf %sub3A_980, %div3A_978 : vector<16xf32>
      %swap3A_982 = arith.constant 912 : index
      %swap3A_983 = tpu.vector_load %arg4[%swap3A_982] {strides = array<i32>} : memref<1152xf32, #tpu.memory_space<vmem>>, vector<16xf32>,
      tpu.vector_store %arg4[%swap3A_982], %sub3A_981 {strides = array<i32>} : memref<1152xf32, #tpu.memory_space<vmem>>, vector<16xf32>,
      %get3A_984 = arith.constant 928 : index
      %get3A_985 = tpu.vector_load %arg4[%get3A_984] {strides = array<i32>} : memref<1152xf32, #tpu.memory_space<vmem>>, vector<16xf32>,
      %mul3A_986 = arith.constant 2.000000e+00 : f32
      %mul3A_987 = vector.broadcast %mul3A_986 : f32 to vector<16xf32>
      %mul3A_988 = arith.mulf %mul3A_987, %get3A_985 : vector<16xf32>
      %exp3A_989 = math.exp %mul3A_988 : vector<16xf32>
      %add3A_990 = arith.constant 1.000000e+00 : f32
      %add3A_991 = vector.broadcast %add3A_990 : f32 to vector<16xf32>
      %add3A_992 = arith.addf %exp3A_989, %add3A_991 : vector<16xf32>
      %div3A_993 = arith.constant 2.000000e+00 : f32
      %div3A_994 = vector.broadcast %div3A_993 : f32 to vector<16xf32>
      %div3A_995 = arith.divf %div3A_994, %add3A_992 : vector<16xf32>
      %sub3A_996 = arith.constant 1.000000e+00 : f32
      %sub3A_997 = vector.broadcast %sub3A_996 : f32 to vector<16xf32>
      %sub3A_998 = arith.subf %sub3A_997, %div3A_995 : vector<16xf32>
      %swap3A_999 = arith.constant 928 : index
      %swap3A_1000 = tpu.vector_load %arg4[%swap3A_999] {strides = array<i32>} : memref<1152xf32, #tpu.memory_space<vmem>>, vector<16xf32>,
      tpu.vector_store %arg4[%swap3A_999], %sub3A_998 {strides = array<i32>} : memref<1152xf32, #tpu.memory_space<vmem>>, vector<16xf32>,
      %get3A_1001 = arith.constant 944 : index
      %get3A_1002 = tpu.vector_load %arg4[%get3A_1001] {strides = array<i32>} : memref<1152xf32, #tpu.memory_space<vmem>>, vector<16xf32>,
      %mul3A_1003 = arith.constant 2.000000e+00 : f32
      %mul3A_1004 = vector.broadcast %mul3A_1003 : f32 to vector<16xf32>
      %mul3A_1005 = arith.mulf %mul3A_1004, %get3A_1002 : vector<16xf32>
      %exp3A_1006 = math.exp %mul3A_1005 : vector<16xf32>
      %add3A_1007 = arith.constant 1.000000e+00 : f32
      %add3A_1008 = vector.broadcast %add3A_1007 : f32 to vector<16xf32>
      %add3A_1009 = arith.addf %exp3A_1006, %add3A_1008 : vector<16xf32>
      %div3A_1010 = arith.constant 2.000000e+00 : f32
      %div3A_1011 = vector.broadcast %div3A_1010 : f32 to vector<16xf32>
      %div3A_1012 = arith.divf %div3A_1011, %add3A_1009 : vector<16xf32>
      %sub3A_1013 = arith.constant 1.000000e+00 : f32
      %sub3A_1014 = vector.broadcast %sub3A_1013 : f32 to vector<16xf32>
      %sub3A_1015 = arith.subf %sub3A_1014, %div3A_1012 : vector<16xf32>
      %swap3A_1016 = arith.constant 944 : index
      %swap3A_1017 = tpu.vector_load %arg4[%swap3A_1016] {strides = array<i32>} : memref<1152xf32, #tpu.memory_space<vmem>>, vector<16xf32>,
      tpu.vector_store %arg4[%swap3A_1016], %sub3A_1015 {strides = array<i32>} : memref<1152xf32, #tpu.memory_space<vmem>>, vector<16xf32>,
      %get3A_1018 = arith.constant 960 : index
      %get3A_1019 = tpu.vector_load %arg4[%get3A_1018] {strides = array<i32>} : memref<1152xf32, #tpu.memory_space<vmem>>, vector<16xf32>,
      %mul3A_1020 = arith.constant 2.000000e+00 : f32
      %mul3A_1021 = vector.broadcast %mul3A_1020 : f32 to vector<16xf32>
      %mul3A_1022 = arith.mulf %mul3A_1021, %get3A_1019 : vector<16xf32>
      %exp3A_1023 = math.exp %mul3A_1022 : vector<16xf32>
      %add3A_1024 = arith.constant 1.000000e+00 : f32
      %add3A_1025 = vector.broadcast %add3A_1024 : f32 to vector<16xf32>
      %add3A_1026 = arith.addf %exp3A_1023, %add3A_1025 : vector<16xf32>
      %div3A_1027 = arith.constant 2.000000e+00 : f32
      %div3A_1028 = vector.broadcast %div3A_1027 : f32 to vector<16xf32>
      %div3A_1029 = arith.divf %div3A_1028, %add3A_1026 : vector<16xf32>
      %sub3A_1030 = arith.constant 1.000000e+00 : f32
      %sub3A_1031 = vector.broadcast %sub3A_1030 : f32 to vector<16xf32>
      %sub3A_1032 = arith.subf %sub3A_1031, %div3A_1029 : vector<16xf32>
      %swap3A_1033 = arith.constant 960 : index
      %swap3A_1034 = tpu.vector_load %arg4[%swap3A_1033] {strides = array<i32>} : memref<1152xf32, #tpu.memory_space<vmem>>, vector<16xf32>,
      tpu.vector_store %arg4[%swap3A_1033], %sub3A_1032 {strides = array<i32>} : memref<1152xf32, #tpu.memory_space<vmem>>, vector<16xf32>,
      %get3A_1035 = arith.constant 976 : index
      %get3A_1036 = tpu.vector_load %arg4[%get3A_1035] {strides = array<i32>} : memref<1152xf32, #tpu.memory_space<vmem>>, vector<16xf32>,
      %mul3A_1037 = arith.constant 2.000000e+00 : f32
      %mul3A_1038 = vector.broadcast %mul3A_1037 : f32 to vector<16xf32>
      %mul3A_1039 = arith.mulf %mul3A_1038, %get3A_1036 : vector<16xf32>
      %exp3A_1040 = math.exp %mul3A_1039 : vector<16xf32>
      %add3A_1041 = arith.constant 1.000000e+00 : f32
      %add3A_1042 = vector.broadcast %add3A_1041 : f32 to vector<16xf32>
      %add3A_1043 = arith.addf %exp3A_1040, %add3A_1042 : vector<16xf32>
      %div3A_1044 = arith.constant 2.000000e+00 : f32
      %div3A_1045 = vector.broadcast %div3A_1044 : f32 to vector<16xf32>
      %div3A_1046 = arith.divf %div3A_1045, %add3A_1043 : vector<16xf32>
      %sub3A_1047 = arith.constant 1.000000e+00 : f32
      %sub3A_1048 = vector.broadcast %sub3A_1047 : f32 to vector<16xf32>
      %sub3A_1049 = arith.subf %sub3A_1048, %div3A_1046 : vector<16xf32>
      %swap3A_1050 = arith.constant 976 : index
      %swap3A_1051 = tpu.vector_load %arg4[%swap3A_1050] {strides = array<i32>} : memref<1152xf32, #tpu.memory_space<vmem>>, vector<16xf32>,
      tpu.vector_store %arg4[%swap3A_1050], %sub3A_1049 {strides = array<i32>} : memref<1152xf32, #tpu.memory_space<vmem>>, vector<16xf32>,
      %get3A_1052 = arith.constant 992 : index
      %get3A_1053 = tpu.vector_load %arg4[%get3A_1052] {strides = array<i32>} : memref<1152xf32, #tpu.memory_space<vmem>>, vector<16xf32>,
      %mul3A_1054 = arith.constant 2.000000e+00 : f32
      %mul3A_1055 = vector.broadcast %mul3A_1054 : f32 to vector<16xf32>
      %mul3A_1056 = arith.mulf %mul3A_1055, %get3A_1053 : vector<16xf32>
      %exp3A_1057 = math.exp %mul3A_1056 : vector<16xf32>
      %add3A_1058 = arith.constant 1.000000e+00 : f32
      %add3A_1059 = vector.broadcast %add3A_1058 : f32 to vector<16xf32>
      %add3A_1060 = arith.addf %exp3A_1057, %add3A_1059 : vector<16xf32>
      %div3A_1061 = arith.constant 2.000000e+00 : f32
      %div3A_1062 = vector.broadcast %div3A_1061 : f32 to vector<16xf32>
      %div3A_1063 = arith.divf %div3A_1062, %add3A_1060 : vector<16xf32>
      %sub3A_1064 = arith.constant 1.000000e+00 : f32
      %sub3A_1065 = vector.broadcast %sub3A_1064 : f32 to vector<16xf32>
      %sub3A_1066 = arith.subf %sub3A_1065, %div3A_1063 : vector<16xf32>
      %swap3A_1067 = arith.constant 992 : index
      %swap3A_1068 = tpu.vector_load %arg4[%swap3A_1067] {strides = array<i32>} : memref<1152xf32, #tpu.memory_space<vmem>>, vector<16xf32>,
      tpu.vector_store %arg4[%swap3A_1067], %sub3A_1066 {strides = array<i32>} : memref<1152xf32, #tpu.memory_space<vmem>>, vector<16xf32>,
      %get3A_1069 = arith.constant 1008 : index
      %get3A_1070 = tpu.vector_load %arg4[%get3A_1069] {strides = array<i32>} : memref<1152xf32, #tpu.memory_space<vmem>>, vector<16xf32>,
      %mul3A_1071 = arith.constant 2.000000e+00 : f32
      %mul3A_1072 = vector.broadcast %mul3A_1071 : f32 to vector<16xf32>
      %mul3A_1073 = arith.mulf %mul3A_1072, %get3A_1070 : vector<16xf32>
      %exp3A_1074 = math.exp %mul3A_1073 : vector<16xf32>
      %add3A_1075 = arith.constant 1.000000e+00 : f32
      %add3A_1076 = vector.broadcast %add3A_1075 : f32 to vector<16xf32>
      %add3A_1077 = arith.addf %exp3A_1074, %add3A_1076 : vector<16xf32>
      %div3A_1078 = arith.constant 2.000000e+00 : f32
      %div3A_1079 = vector.broadcast %div3A_1078 : f32 to vector<16xf32>
      %div3A_1080 = arith.divf %div3A_1079, %add3A_1077 : vector<16xf32>
      %sub3A_1081 = arith.constant 1.000000e+00 : f32
      %sub3A_1082 = vector.broadcast %sub3A_1081 : f32 to vector<16xf32>
      %sub3A_1083 = arith.subf %sub3A_1082, %div3A_1080 : vector<16xf32>
      %swap3A_1084 = arith.constant 1008 : index
      %swap3A_1085 = tpu.vector_load %arg4[%swap3A_1084] {strides = array<i32>} : memref<1152xf32, #tpu.memory_space<vmem>>, vector<16xf32>,
      tpu.vector_store %arg4[%swap3A_1084], %sub3A_1083 {strides = array<i32>} : memref<1152xf32, #tpu.memory_space<vmem>>, vector<16xf32>,
      %get3A_1086 = arith.constant 1024 : index
      %get3A_1087 = tpu.vector_load %arg4[%get3A_1086] {strides = array<i32>} : memref<1152xf32, #tpu.memory_space<vmem>>, vector<16xf32>,
      %mul3A_1088 = arith.constant 2.000000e+00 : f32
      %mul3A_1089 = vector.broadcast %mul3A_1088 : f32 to vector<16xf32>
      %mul3A_1090 = arith.mulf %mul3A_1089, %get3A_1087 : vector<16xf32>
      %exp3A_1091 = math.exp %mul3A_1090 : vector<16xf32>
      %add3A_1092 = arith.constant 1.000000e+00 : f32
      %add3A_1093 = vector.broadcast %add3A_1092 : f32 to vector<16xf32>
      %add3A_1094 = arith.addf %exp3A_1091, %add3A_1093 : vector<16xf32>
      %div3A_1095 = arith.constant 2.000000e+00 : f32
      %div3A_1096 = vector.broadcast %div3A_1095 : f32 to vector<16xf32>
      %div3A_1097 = arith.divf %div3A_1096, %add3A_1094 : vector<16xf32>
      %sub3A_1098 = arith.constant 1.000000e+00 : f32
      %sub3A_1099 = vector.broadcast %sub3A_1098 : f32 to vector<16xf32>
      %sub3A_1100 = arith.subf %sub3A_1099, %div3A_1097 : vector<16xf32>
      %swap3A_1101 = arith.constant 1024 : index
      %swap3A_1102 = tpu.vector_load %arg4[%swap3A_1101] {strides = array<i32>} : memref<1152xf32, #tpu.memory_space<vmem>>, vector<16xf32>,
      tpu.vector_store %arg4[%swap3A_1101], %sub3A_1100 {strides = array<i32>} : memref<1152xf32, #tpu.memory_space<vmem>>, vector<16xf32>,
      %get3A_1103 = arith.constant 1040 : index
      %get3A_1104 = tpu.vector_load %arg4[%get3A_1103] {strides = array<i32>} : memref<1152xf32, #tpu.memory_space<vmem>>, vector<16xf32>,
      %mul3A_1105 = arith.constant 2.000000e+00 : f32
      %mul3A_1106 = vector.broadcast %mul3A_1105 : f32 to vector<16xf32>
      %mul3A_1107 = arith.mulf %mul3A_1106, %get3A_1104 : vector<16xf32>
      %exp3A_1108 = math.exp %mul3A_1107 : vector<16xf32>
      %add3A_1109 = arith.constant 1.000000e+00 : f32
      %add3A_1110 = vector.broadcast %add3A_1109 : f32 to vector<16xf32>
      %add3A_1111 = arith.addf %exp3A_1108, %add3A_1110 : vector<16xf32>
      %div3A_1112 = arith.constant 2.000000e+00 : f32
      %div3A_1113 = vector.broadcast %div3A_1112 : f32 to vector<16xf32>
      %div3A_1114 = arith.divf %div3A_1113, %add3A_1111 : vector<16xf32>
      %sub3A_1115 = arith.constant 1.000000e+00 : f32
      %sub3A_1116 = vector.broadcast %sub3A_1115 : f32 to vector<16xf32>
      %sub3A_1117 = arith.subf %sub3A_1116, %div3A_1114 : vector<16xf32>
      %swap3A_1118 = arith.constant 1040 : index
      %swap3A_1119 = tpu.vector_load %arg4[%swap3A_1118] {strides = array<i32>} : memref<1152xf32, #tpu.memory_space<vmem>>, vector<16xf32>,
      tpu.vector_store %arg4[%swap3A_1118], %sub3A_1117 {strides = array<i32>} : memref<1152xf32, #tpu.memory_space<vmem>>, vector<16xf32>,
      %get3A_1120 = arith.constant 1056 : index
      %get3A_1121 = tpu.vector_load %arg4[%get3A_1120] {strides = array<i32>} : memref<1152xf32, #tpu.memory_space<vmem>>, vector<16xf32>,
      %mul3A_1122 = arith.constant 2.000000e+00 : f32
      %mul3A_1123 = vector.broadcast %mul3A_1122 : f32 to vector<16xf32>
      %mul3A_1124 = arith.mulf %mul3A_1123, %get3A_1121 : vector<16xf32>
      %exp3A_1125 = math.exp %mul3A_1124 : vector<16xf32>
      %add3A_1126 = arith.constant 1.000000e+00 : f32
      %add3A_1127 = vector.broadcast %add3A_1126 : f32 to vector<16xf32>
      %add3A_1128 = arith.addf %exp3A_1125, %add3A_1127 : vector<16xf32>
      %div3A_1129 = arith.constant 2.000000e+00 : f32
      %div3A_1130 = vector.broadcast %div3A_1129 : f32 to vector<16xf32>
      %div3A_1131 = arith.divf %div3A_1130, %add3A_1128 : vector<16xf32>
      %sub3A_1132 = arith.constant 1.000000e+00 : f32
      %sub3A_1133 = vector.broadcast %sub3A_1132 : f32 to vector<16xf32>
      %sub3A_1134 = arith.subf %sub3A_1133, %div3A_1131 : vector<16xf32>
      %swap3A_1135 = arith.constant 1056 : index
      %swap3A_1136 = tpu.vector_load %arg4[%swap3A_1135] {strides = array<i32>} : memref<1152xf32, #tpu.memory_space<vmem>>, vector<16xf32>,
      tpu.vector_store %arg4[%swap3A_1135], %sub3A_1134 {strides = array<i32>} : memref<1152xf32, #tpu.memory_space<vmem>>, vector<16xf32>,
      %get3A_1137 = arith.constant 1072 : index
      %get3A_1138 = tpu.vector_load %arg4[%get3A_1137] {strides = array<i32>} : memref<1152xf32, #tpu.memory_space<vmem>>, vector<16xf32>,
      %mul3A_1139 = arith.constant 2.000000e+00 : f32
      %mul3A_1140 = vector.broadcast %mul3A_1139 : f32 to vector<16xf32>
      %mul3A_1141 = arith.mulf %mul3A_1140, %get3A_1138 : vector<16xf32>
      %exp3A_1142 = math.exp %mul3A_1141 : vector<16xf32>
      %add3A_1143 = arith.constant 1.000000e+00 : f32
      %add3A_1144 = vector.broadcast %add3A_1143 : f32 to vector<16xf32>
      %add3A_1145 = arith.addf %exp3A_1142, %add3A_1144 : vector<16xf32>
      %div3A_1146 = arith.constant 2.000000e+00 : f32
      %div3A_1147 = vector.broadcast %div3A_1146 : f32 to vector<16xf32>
      %div3A_1148 = arith.divf %div3A_1147, %add3A_1145 : vector<16xf32>
      %sub3A_1149 = arith.constant 1.000000e+00 : f32
      %sub3A_1150 = vector.broadcast %sub3A_1149 : f32 to vector<16xf32>
      %sub3A_1151 = arith.subf %sub3A_1150, %div3A_1148 : vector<16xf32>
      %swap3A_1152 = arith.constant 1072 : index
      %swap3A_1153 = tpu.vector_load %arg4[%swap3A_1152] {strides = array<i32>} : memref<1152xf32, #tpu.memory_space<vmem>>, vector<16xf32>,
      tpu.vector_store %arg4[%swap3A_1152], %sub3A_1151 {strides = array<i32>} : memref<1152xf32, #tpu.memory_space<vmem>>, vector<16xf32>,
      %get3A_1154 = arith.constant 1088 : index
      %get3A_1155 = tpu.vector_load %arg4[%get3A_1154] {strides = array<i32>} : memref<1152xf32, #tpu.memory_space<vmem>>, vector<16xf32>,
      %mul3A_1156 = arith.constant 2.000000e+00 : f32
      %mul3A_1157 = vector.broadcast %mul3A_1156 : f32 to vector<16xf32>
      %mul3A_1158 = arith.mulf %mul3A_1157, %get3A_1155 : vector<16xf32>
      %exp3A_1159 = math.exp %mul3A_1158 : vector<16xf32>
      %add3A_1160 = arith.constant 1.000000e+00 : f32
      %add3A_1161 = vector.broadcast %add3A_1160 : f32 to vector<16xf32>
      %add3A_1162 = arith.addf %exp3A_1159, %add3A_1161 : vector<16xf32>
      %div3A_1163 = arith.constant 2.000000e+00 : f32
      %div3A_1164 = vector.broadcast %div3A_1163 : f32 to vector<16xf32>
      %div3A_1165 = arith.divf %div3A_1164, %add3A_1162 : vector<16xf32>
      %sub3A_1166 = arith.constant 1.000000e+00 : f32
      %sub3A_1167 = vector.broadcast %sub3A_1166 : f32 to vector<16xf32>
      %sub3A_1168 = arith.subf %sub3A_1167, %div3A_1165 : vector<16xf32>
      %swap3A_1169 = arith.constant 1088 : index
      %swap3A_1170 = tpu.vector_load %arg4[%swap3A_1169] {strides = array<i32>} : memref<1152xf32, #tpu.memory_space<vmem>>, vector<16xf32>,
      tpu.vector_store %arg4[%swap3A_1169], %sub3A_1168 {strides = array<i32>} : memref<1152xf32, #tpu.memory_space<vmem>>, vector<16xf32>,
      %get3A_1171 = arith.constant 1104 : index
      %get3A_1172 = tpu.vector_load %arg4[%get3A_1171] {strides = array<i32>} : memref<1152xf32, #tpu.memory_space<vmem>>, vector<16xf32>,
      %mul3A_1173 = arith.constant 2.000000e+00 : f32
      %mul3A_1174 = vector.broadcast %mul3A_1173 : f32 to vector<16xf32>
      %mul3A_1175 = arith.mulf %mul3A_1174, %get3A_1172 : vector<16xf32>
      %exp3A_1176 = math.exp %mul3A_1175 : vector<16xf32>
      %add3A_1177 = arith.constant 1.000000e+00 : f32
      %add3A_1178 = vector.broadcast %add3A_1177 : f32 to vector<16xf32>
      %add3A_1179 = arith.addf %exp3A_1176, %add3A_1178 : vector<16xf32>
      %div3A_1180 = arith.constant 2.000000e+00 : f32
      %div3A_1181 = vector.broadcast %div3A_1180 : f32 to vector<16xf32>
      %div3A_1182 = arith.divf %div3A_1181, %add3A_1179 : vector<16xf32>
      %sub3A_1183 = arith.constant 1.000000e+00 : f32
      %sub3A_1184 = vector.broadcast %sub3A_1183 : f32 to vector<16xf32>
      %sub3A_1185 = arith.subf %sub3A_1184, %div3A_1182 : vector<16xf32>
      %swap3A_1186 = arith.constant 1104 : index
      %swap3A_1187 = tpu.vector_load %arg4[%swap3A_1186] {strides = array<i32>} : memref<1152xf32, #tpu.memory_space<vmem>>, vector<16xf32>,
      tpu.vector_store %arg4[%swap3A_1186], %sub3A_1185 {strides = array<i32>} : memref<1152xf32, #tpu.memory_space<vmem>>, vector<16xf32>,
      %get3A_1188 = arith.constant 1120 : index
      %get3A_1189 = tpu.vector_load %arg4[%get3A_1188] {strides = array<i32>} : memref<1152xf32, #tpu.memory_space<vmem>>, vector<16xf32>,
      %mul3A_1190 = arith.constant 2.000000e+00 : f32
      %mul3A_1191 = vector.broadcast %mul3A_1190 : f32 to vector<16xf32>
      %mul3A_1192 = arith.mulf %mul3A_1191, %get3A_1189 : vector<16xf32>
      %exp3A_1193 = math.exp %mul3A_1192 : vector<16xf32>
      %add3A_1194 = arith.constant 1.000000e+00 : f32
      %add3A_1195 = vector.broadcast %add3A_1194 : f32 to vector<16xf32>
      %add3A_1196 = arith.addf %exp3A_1193, %add3A_1195 : vector<16xf32>
      %div3A_1197 = arith.constant 2.000000e+00 : f32
      %div3A_1198 = vector.broadcast %div3A_1197 : f32 to vector<16xf32>
      %div3A_1199 = arith.divf %div3A_1198, %add3A_1196 : vector<16xf32>
      %sub3A_1200 = arith.constant 1.000000e+00 : f32
      %sub3A_1201 = vector.broadcast %sub3A_1200 : f32 to vector<16xf32>
      %sub3A_1202 = arith.subf %sub3A_1201, %div3A_1199 : vector<16xf32>
      %swap3A_1203 = arith.constant 1120 : index
      %swap3A_1204 = tpu.vector_load %arg4[%swap3A_1203] {strides = array<i32>} : memref<1152xf32, #tpu.memory_space<vmem>>, vector<16xf32>,
      tpu.vector_store %arg4[%swap3A_1203], %sub3A_1202 {strides = array<i32>} : memref<1152xf32, #tpu.memory_space<vmem>>, vector<16xf32>,
      %get3A_1205 = arith.constant 1136 : index
      %get3A_1206 = tpu.vector_load %arg4[%get3A_1205] {strides = array<i32>} : memref<1152xf32, #tpu.memory_space<vmem>>, vector<16xf32>,
      %mul3A_1207 = arith.constant 2.000000e+00 : f32
      %mul3A_1208 = vector.broadcast %mul3A_1207 : f32 to vector<16xf32>
      %mul3A_1209 = arith.mulf %mul3A_1208, %get3A_1206 : vector<16xf32>
      %exp3A_1210 = math.exp %mul3A_1209 : vector<16xf32>
      %add3A_1211 = arith.constant 1.000000e+00 : f32
      %add3A_1212 = vector.broadcast %add3A_1211 : f32 to vector<16xf32>
      %add3A_1213 = arith.addf %exp3A_1210, %add3A_1212 : vector<16xf32>
      %div3A_1214 = arith.constant 2.000000e+00 : f32
      %div3A_1215 = vector.broadcast %div3A_1214 : f32 to vector<16xf32>
      %div3A_1216 = arith.divf %div3A_1215, %add3A_1213 : vector<16xf32>
      %sub3A_1217 = arith.constant 1.000000e+00 : f32
      %sub3A_1218 = vector.broadcast %sub3A_1217 : f32 to vector<16xf32>
      %sub3A_1219 = arith.subf %sub3A_1218, %div3A_1216 : vector<16xf32>
      %swap3A_1220 = arith.constant 1136 : index
      %swap3A_1221 = tpu.vector_load %arg4[%swap3A_1220] {strides = array<i32>} : memref<1152xf32, #tpu.memory_space<vmem>>, vector<16xf32>,
      tpu.vector_store %arg4[%swap3A_1220], %sub3A_1219 {strides = array<i32>} : memref<1152xf32, #tpu.memory_space<vmem>>, vector<16xf32>,
      %scan3A = arith.constant 0 : i32
      %scan3A_1222 = arith.constant 0 : i32
      %scan3A_1223 = arith.constant 18 : i32
      %scan3A_1224 = arith.addi %scan3A_1222, %scan3A_1223 : i32
      %scan3A_1225 = arith.constant 1 : i32
      scf.for %scan3A_1227 = %scan3A_1222 to %scan3A_1224 step %scan3A_1225  : i32 {
        %scan3A_1228 = arith.constant 0 : i32
        %scan3A_1229 = arith.constant 18 : i32
        %scan3A_1230 = arith.addi %scan3A_1228, %scan3A_1229 : i32
        %scan3A_1231 = arith.constant 1 : i32
        scf.for %scan3A_1233 = %scan3A_1228 to %scan3A_1230 step %scan3A_1231  : i32 {
          %mul3A_1234 = arith.constant 18 : i32
          %mul3A_1235 = arith.muli %scan3A_1227, %mul3A_1234 : i32
          %add3A_1236 = arith.addi %mul3A_1235, %scan3A_1233 : i32
          %mul3A_1237 = arith.constant 64 : i32
          %mul3A_1238 = arith.muli %scan3A_1227, %mul3A_1237 : i32
          %add3A_1239 = arith.constant 0 : i32
          %add3A_1240 = arith.addi %mul3A_1238, %add3A_1239 : i32
          %get3A_1241 = arith.index_cast %add3A_1240 : i32 to index
          %get3A_1242 = tpu.vector_load %arg4[%get3A_1241] {strides = array<i32>} : memref<1152xf32, #tpu.memory_space<vmem>>, vector<16xf32>,
          %mul3A_1243 = arith.constant 128 : i32
          %mul3A_1244 = arith.muli %add3A_1236, %mul3A_1243 : i32
          %add3A_1245 = arith.constant 0 : i32
          %add3A_1246 = arith.addi %mul3A_1244, %add3A_1245 : i32
          %swap3A_1247 = arith.index_cast %add3A_1246 : i32 to index
          %swap3A_1248 = tpu.vector_load %arg5[%swap3A_1247] {strides = array<i32>} : memref<41472xf32, #tpu.memory_space<vmem>>, vector<16xf32>,
          tpu.vector_store %arg5[%swap3A_1247], %get3A_1242 {strides = array<i32>} : memref<41472xf32, #tpu.memory_space<vmem>>, vector<16xf32>,
          %mul3A_1249 = arith.constant 64 : i32
          %mul3A_1250 = arith.muli %scan3A_1233, %mul3A_1249 : i32
          %add3A_1251 = arith.constant 0 : i32
          %add3A_1252 = arith.addi %mul3A_1250, %add3A_1251 : i32
          %get3A_1253 = arith.index_cast %add3A_1252 : i32 to index
          %get3A_1254 = tpu.vector_load %arg4[%get3A_1253] {strides = array<i32>} : memref<1152xf32, #tpu.memory_space<vmem>>, vector<16xf32>,
          %mul3A_1255 = arith.constant 128 : i32
          %mul3A_1256 = arith.muli %add3A_1236, %mul3A_1255 : i32
          %add3A_1257 = arith.constant 64 : i32
          %add3A_1258 = arith.addi %mul3A_1256, %add3A_1257 : i32
          %add3A_1259 = arith.constant 0 : i32
          %add3A_1260 = arith.addi %add3A_1258, %add3A_1259 : i32
          %swap3A_1261 = arith.index_cast %add3A_1260 : i32 to index
          %swap3A_1262 = tpu.vector_load %arg5[%swap3A_1261] {strides = array<i32>} : memref<41472xf32, #tpu.memory_space<vmem>>, vector<16xf32>,
          tpu.vector_store %arg5[%swap3A_1261], %get3A_1254 {strides = array<i32>} : memref<41472xf32, #tpu.memory_space<vmem>>, vector<16xf32>,
          %mul3A_1263 = arith.constant 64 : i32
          %mul3A_1264 = arith.muli %scan3A_1227, %mul3A_1263 : i32
          %add3A_1265 = arith.constant 16 : i32
          %add3A_1266 = arith.addi %mul3A_1264, %add3A_1265 : i32
          %get3A_1267 = arith.index_cast %add3A_1266 : i32 to index
          %get3A_1268 = tpu.vector_load %arg4[%get3A_1267] {strides = array<i32>} : memref<1152xf32, #tpu.memory_space<vmem>>, vector<16xf32>,
          %mul3A_1269 = arith.constant 128 : i32
          %mul3A_1270 = arith.muli %add3A_1236, %mul3A_1269 : i32
          %add3A_1271 = arith.constant 16 : i32
          %add3A_1272 = arith.addi %mul3A_1270, %add3A_1271 : i32
          %swap3A_1273 = arith.index_cast %add3A_1272 : i32 to index
          %swap3A_1274 = tpu.vector_load %arg5[%swap3A_1273] {strides = array<i32>} : memref<41472xf32, #tpu.memory_space<vmem>>, vector<16xf32>,
          tpu.vector_store %arg5[%swap3A_1273], %get3A_1268 {strides = array<i32>} : memref<41472xf32, #tpu.memory_space<vmem>>, vector<16xf32>,
          %mul3A_1275 = arith.constant 64 : i32
          %mul3A_1276 = arith.muli %scan3A_1233, %mul3A_1275 : i32
          %add3A_1277 = arith.constant 16 : i32
          %add3A_1278 = arith.addi %mul3A_1276, %add3A_1277 : i32
          %get3A_1279 = arith.index_cast %add3A_1278 : i32 to index
          %get3A_1280 = tpu.vector_load %arg4[%get3A_1279] {strides = array<i32>} : memref<1152xf32, #tpu.memory_space<vmem>>, vector<16xf32>,
          %mul3A_1281 = arith.constant 128 : i32
          %mul3A_1282 = arith.muli %add3A_1236, %mul3A_1281 : i32
          %add3A_1283 = arith.constant 64 : i32
          %add3A_1284 = arith.addi %mul3A_1282, %add3A_1283 : i32
          %add3A_1285 = arith.constant 16 : i32
          %add3A_1286 = arith.addi %add3A_1284, %add3A_1285 : i32
          %swap3A_1287 = arith.index_cast %add3A_1286 : i32 to index
          %swap3A_1288 = tpu.vector_load %arg5[%swap3A_1287] {strides = array<i32>} : memref<41472xf32, #tpu.memory_space<vmem>>, vector<16xf32>,
          tpu.vector_store %arg5[%swap3A_1287], %get3A_1280 {strides = array<i32>} : memref<41472xf32, #tpu.memory_space<vmem>>, vector<16xf32>,
          %mul3A_1289 = arith.constant 64 : i32
          %mul3A_1290 = arith.muli %scan3A_1227, %mul3A_1289 : i32
          %add3A_1291 = arith.constant 32 : i32
          %add3A_1292 = arith.addi %mul3A_1290, %add3A_1291 : i32
          %get3A_1293 = arith.index_cast %add3A_1292 : i32 to index
          %get3A_1294 = tpu.vector_load %arg4[%get3A_1293] {strides = array<i32>} : memref<1152xf32, #tpu.memory_space<vmem>>, vector<16xf32>,
          %mul3A_1295 = arith.constant 128 : i32
          %mul3A_1296 = arith.muli %add3A_1236, %mul3A_1295 : i32
          %add3A_1297 = arith.constant 32 : i32
          %add3A_1298 = arith.addi %mul3A_1296, %add3A_1297 : i32
          %swap3A_1299 = arith.index_cast %add3A_1298 : i32 to index
          %swap3A_1300 = tpu.vector_load %arg5[%swap3A_1299] {strides = array<i32>} : memref<41472xf32, #tpu.memory_space<vmem>>, vector<16xf32>,
          tpu.vector_store %arg5[%swap3A_1299], %get3A_1294 {strides = array<i32>} : memref<41472xf32, #tpu.memory_space<vmem>>, vector<16xf32>,
          %mul3A_1301 = arith.constant 64 : i32
          %mul3A_1302 = arith.muli %scan3A_1233, %mul3A_1301 : i32
          %add3A_1303 = arith.constant 32 : i32
          %add3A_1304 = arith.addi %mul3A_1302, %add3A_1303 : i32
          %get3A_1305 = arith.index_cast %add3A_1304 : i32 to index
          %get3A_1306 = tpu.vector_load %arg4[%get3A_1305] {strides = array<i32>} : memref<1152xf32, #tpu.memory_space<vmem>>, vector<16xf32>,
          %mul3A_1307 = arith.constant 128 : i32
          %mul3A_1308 = arith.muli %add3A_1236, %mul3A_1307 : i32
          %add3A_1309 = arith.constant 64 : i32
          %add3A_1310 = arith.addi %mul3A_1308, %add3A_1309 : i32
          %add3A_1311 = arith.constant 32 : i32
          %add3A_1312 = arith.addi %add3A_1310, %add3A_1311 : i32
          %swap3A_1313 = arith.index_cast %add3A_1312 : i32 to index
          %swap3A_1314 = tpu.vector_load %arg5[%swap3A_1313] {strides = array<i32>} : memref<41472xf32, #tpu.memory_space<vmem>>, vector<16xf32>,
          tpu.vector_store %arg5[%swap3A_1313], %get3A_1306 {strides = array<i32>} : memref<41472xf32, #tpu.memory_space<vmem>>, vector<16xf32>,
          %mul3A_1315 = arith.constant 64 : i32
          %mul3A_1316 = arith.muli %scan3A_1227, %mul3A_1315 : i32
          %add3A_1317 = arith.constant 48 : i32
          %add3A_1318 = arith.addi %mul3A_1316, %add3A_1317 : i32
          %get3A_1319 = arith.index_cast %add3A_1318 : i32 to index
          %get3A_1320 = tpu.vector_load %arg4[%get3A_1319] {strides = array<i32>} : memref<1152xf32, #tpu.memory_space<vmem>>, vector<16xf32>,
          %mul3A_1321 = arith.constant 128 : i32
          %mul3A_1322 = arith.muli %add3A_1236, %mul3A_1321 : i32
          %add3A_1323 = arith.constant 48 : i32
          %add3A_1324 = arith.addi %mul3A_1322, %add3A_1323 : i32
          %swap3A_1325 = arith.index_cast %add3A_1324 : i32 to index
          %swap3A_1326 = tpu.vector_load %arg5[%swap3A_1325] {strides = array<i32>} : memref<41472xf32, #tpu.memory_space<vmem>>, vector<16xf32>,
          tpu.vector_store %arg5[%swap3A_1325], %get3A_1320 {strides = array<i32>} : memref<41472xf32, #tpu.memory_space<vmem>>, vector<16xf32>,
          %mul3A_1327 = arith.constant 64 : i32
          %mul3A_1328 = arith.muli %scan3A_1233, %mul3A_1327 : i32
          %add3A_1329 = arith.constant 48 : i32
          %add3A_1330 = arith.addi %mul3A_1328, %add3A_1329 : i32
          %get3A_1331 = arith.index_cast %add3A_1330 : i32 to index
          %get3A_1332 = tpu.vector_load %arg4[%get3A_1331] {strides = array<i32>} : memref<1152xf32, #tpu.memory_space<vmem>>, vector<16xf32>,
          %mul3A_1333 = arith.constant 128 : i32
          %mul3A_1334 = arith.muli %add3A_1236, %mul3A_1333 : i32
          %add3A_1335 = arith.constant 64 : i32
          %add3A_1336 = arith.addi %mul3A_1334, %add3A_1335 : i32
          %add3A_1337 = arith.constant 48 : i32
          %add3A_1338 = arith.addi %add3A_1336, %add3A_1337 : i32
          %swap3A_1339 = arith.index_cast %add3A_1338 : i32 to index
          %swap3A_1340 = tpu.vector_load %arg5[%swap3A_1339] {strides = array<i32>} : memref<41472xf32, #tpu.memory_space<vmem>>, vector<16xf32>,
          tpu.vector_store %arg5[%swap3A_1339], %get3A_1332 {strides = array<i32>} : memref<41472xf32, #tpu.memory_space<vmem>>, vector<16xf32>,
        }
        %scan3A_1232 = arith.constant 18 : i32
      }
      %scan3A_1226 = arith.constant 18 : i32
      "tpu.region"() ({
        %run_scoped3A = tpu.sem_alloc : memref<!tpu.dma_semaphore, #tpu.memory_space<semaphore_mem>>
        tpu.enqueue_dma source(%arg5 : memref<41472xf32, #tpu.memory_space<vmem>>) target(%arg3 : memref<41472xf32, #tpu.memory_space<hbm>>) target_semaphore(%run_scoped3A : memref<!tpu.dma_semaphore, #tpu.memory_space<semaphore_mem>>)
        tpu.wait_dma2 semaphore(%run_scoped3A : memref<!tpu.dma_semaphore, #tpu.memory_space<semaphore_mem>>) src(%arg5 : memref<41472xf32, #tpu.memory_space<vmem>>) dst(%arg3 : memref<41472xf32, #tpu.memory_space<hbm>>)
        tpu.yield
      }) : () -> ()
    } else {
    }
    return
  }
}

</mosaic_0001>

<sc_bundles>
// kernel: _sc_pair_table.3.cloned.1.call-start
scs
__scs_entry_jumppad:
0x0: {  	(pc) =	sbr.rel $0x88, $3  }
0x1: {  	(tag) =	ssettag $0x0;
	lr =	simm.s32 $0x1  }
0x2: {  	[smem:$0x3FA0] =	sst lr;
	_ =	strace $0xD0000000  }
0x3: {  	_ = 	snop  }
0x4: {  	_ = 	snop  }
0x5: {  	_ = 	snop  }
0x6: {  	_ = 	snop  }
0x7: {  	_ = 	snop  }
__scs_overlays_trampoline_lowered:
0x8: {  	[smem:$0x3FAF] =	sst s0  }
0x9: {  	[smem:$0x3FB0] =	sst s1  }
0xa: {  	[smem:$0x3FB1] =	sst s2  }
0xb: {  	[smem:$0x3FB2] =	sst s3  }
0xc: {  	[smem:$0x3FB3] =	sst s4  }
0xd: {  	[smem:$0x3FB4] =	sst s5  }
0xe: {  	[smem:$0x3FB5] =	sst s6  }
0xf: {  	[smem:$0x3FB6] =	sst s7  }
0x10: {  	[smem:$0x3FB7] =	sst s8  }
0x11: {  	[smem:$0x3FB8] =	sst s9;
	s0 =	simm.s32 @!p0 $0x0  }
0x12: {  	s1 =	sld [smem:$0x3F9E];
	s0 =	simm.s32 @p0 $0x1  }
0x13: {  	[smem:$0x3FB9] =	sst s0;
	s0 =	simm.s32 @!p1 $0x0  }
0x14: {  	s2 =	sld [smem:$0x3F9D];
	s0 =	simm.s32 @p1 $0x1  }
0x15: {  	[smem:$0x3FBA] =	sst s0;
	s0 =	simm.s32 @!p2 $0x0  }
0x16: {  	s3 =	sld [smem:$0x3FDB];
	s0 =	simm.s32 @p2 $0x1  }
0x17: {  	s4 =	simm.s32 $0x1BF5;
	[smem:$0x3FBC] =	sst s0  }
0x18: {  	s0 =	sld [smem:$0x3F9F];
	_ =	swait.ge [sflag:s4], $0x0  }
0x19: {  	s7 =	sld [smem:$0x3FA0]  }
0x1a: {  	s8 =	sadd.s32 $0xFFFFE003, lr  }
0x1b: {  	s9 =	sadd.s32 $0xFFFFFEF7, lr;
	s5 =	simm.s32 $0xFFFFFFFF;
	p2 =	slt.u32 s8, $0xFFFFF086  }
0x1c: {  	p1 =	slt.u32 s9, $0xF7A;
	s5 =	simm.s32 @!p2 $0x0  }
0x1d: {  	s5 =	simm.s32 @p1 $0x1;
	p0 =	seq.s32 s7, s2  }
0x1e: {  	s7 =	smul.u32 @!p0 $0xF7A, s2;
	p2 =	seq.s32 @!p0 s5, $0x0  }
0x1f: {  	s9 =	smul.u32 $0xF7A, s1;
	s8 =	simm.s32 @!p0 $0x1BF5;
	p2 =	por !p2, p0  }
0x20: {  	[sflag:s8] =	ssyncset.s32 @!p0 $0xFFFFF086;
	s6 =	sadd.s32 @!p0 s3, s7;
	s7 =	simm.s32 @!p0 $0x108  }
0x21: {  	s3 =	sadd.s32 s3, s9;
	s6 =	sadd.s32 @!p0 $0x88, s6;
	s7 =	simm.s32 @p2 $0x1082  }
0x22: {  	[simem:s7], [sflag:s8] =	dma.local @!p0 [hbm:s6], $0xF7A  }
0x23: {  	s9 =	sor.u32 $0xD0000000, s2;
	s6 =	simm.s32 $0x108;
	_ =	swait.ge @!p0 [sflag:s8], $0x0  }
0x24: {  	s3 =	sadd.s32 $0x88, s3;
	s6 =	simm.s32 @!p1 $0x1082;
	[sflag:s4] =	ssyncset.s32 $0xFFFFF086  }
0x25: {  	[simem:s6], [sflag:s4] =	dma.local [hbm:s3], $0xF7A  }
0x26: {  	[smem:$0x3FA0] =	sst s1;
	(tag) =	ssettag s2;
	_ =	strace s9  }
0x27: {  	s1 =	sld [smem:$0x3FB0]  }
0x28: {  	s2 =	sld [smem:$0x3FB1]  }
0x29: {  	s4 =	sld [smem:$0x3FB3]  }
0x2a: {  	p0 =	seq.s32 s5, $0x0;
	s5 =	sld [smem:$0x3FB4]  }
0x2b: {  	s6 =	sld [smem:$0x3FB5]  }
0x2c: {  	s7 =	sld [smem:$0x3FB6]  }
0x2d: {  	s3 =	simm.s32 $0x108;
	s8 =	sld [smem:$0x3FB7]  }
0x2e: {  	s3 =	simm.s32 @!p0 $0x1082;
	s9 =	sld [smem:$0x3FB8]  }
0x2f: {  	lr =	sadd.s32 s0, s3;
	s0 =	sld [smem:$0x3FAF]  }
0x30: {  	s3 =	sld [smem:$0x3FB2]  }
0x31: {  	[smem:$0x3FBB] =	sst s10  }
0x32: {  	s10 =	sld [smem:$0x3FB9];
	_ =	sdelay $0x3  }
0x33: {  	p0 =	seq.s32 s10, $0x1;
	s10 =	sld [smem:$0x3FBB];
	_ =	sdelay $0x3  }
0x34: {  	[smem:$0x3FBB] =	sst s10  }
0x35: {  	s10 =	sld [smem:$0x3FBA];
	_ =	sdelay $0x3  }
0x36: {  	p1 =	seq.s32 s10, $0x1;
	s10 =	sld [smem:$0x3FBB];
	_ =	sdelay $0x3  }
0x37: {  	[smem:$0x3FBB] =	sst s10  }
0x38: {  	s10 =	sld [smem:$0x3FBC]  }
0x39: {  	_ = 	snop;
	(pc) =	sbr.ind lr, $3  }
0x3a: {  	_ = 	snop  }
0x3b: {  	_ = 	snop  }
0x3c: {  	p2 =	seq.s32 s10, $0x1;
	s10 =	sld [smem:$0x3FBB]  }
0x3d: {  	_ =	shalt  }
0x3e: {  	_ =	shalt  }
0x3f: {  	_ =	shalt  }
0x40: {  	_ =	shalt  }
0x41: {  	_ =	shalt  }
0x42: {  	_ =	shalt  }
0x43: {  	_ =	shalt  }
0x44: {  	_ =	shalt  }
0x45: {  	_ =	shalt  }
0x46: {  	_ =	shalt  }
0x47: {  	_ =	shalt  }
0x48: {  	_ =	shalt  }
0x49: {  	_ =	shalt  }
0x4a: {  	_ =	shalt  }
0x4b: {  	_ =	shalt  }
0x4c: {  	_ =	shalt  }
0x4d: {  	_ =	shalt  }
0x4e: {  	_ =	shalt  }
0x4f: {  	_ =	shalt  }
0x50: {  	_ =	shalt  }
0x51: {  	_ =	shalt  }
0x52: {  	_ =	shalt  }
0x53: {  	_ =	shalt  }
0x54: {  	_ =	shalt  }
0x55: {  	_ =	shalt  }
0x56: {  	_ =	shalt  }
0x57: {  	_ =	shalt  }
0x58: {  	_ =	shalt  }
0x59: {  	_ =	shalt  }
0x5a: {  	_ =	shalt  }
0x5b: {  	_ =	shalt  }
0x5c: {  	_ =	shalt  }
0x5d: {  	_ =	shalt  }
0x5e: {  	_ =	shalt  }
0x5f: {  	_ =	shalt  }
0x60: {  	_ =	shalt  }
0x61: {  	_ =	shalt  }
0x62: {  	_ =	shalt  }
0x63: {  	_ =	shalt  }
0x64: {  	_ =	shalt  }
0x65: {  	_ =	shalt  }
0x66: {  	_ =	shalt  }
0x67: {  	_ =	shalt  }
0x68: {  	_ =	shalt  }
0x69: {  	_ =	shalt  }
0x6a: {  	_ =	shalt  }
0x6b: {  	_ =	shalt  }
0x6c: {  	_ =	shalt  }
0x6d: {  	_ =	shalt  }
0x6e: {  	_ =	shalt  }
0x6f: {  	_ =	shalt  }
0x70: {  	_ =	shalt  }
0x71: {  	_ =	shalt  }
0x72: {  	_ =	shalt  }
0x73: {  	_ =	shalt  }
0x74: {  	_ =	shalt  }
0x75: {  	_ =	shalt  }
0x76: {  	_ =	shalt  }
0x77: {  	_ =	shalt  }
0x78: {  	_ =	shalt  }
0x79: {  	_ =	shalt  }
0x7a: {  	_ =	shalt  }
0x7b: {  	_ =	shalt  }
0x7c: {  	_ =	shalt  }
0x7d: {  	_ =	shalt  }
0x7e: {  	_ =	shalt  }
0x7f: {  	_ =	shalt  }
0x80: {  	_ =	shalt  }
0x81: {  	_ =	shalt  }
0x82: {  	_ =	shalt  }
0x83: {  	_ =	shalt  }
0x84: {  	_ =	shalt  }
0x85: {  	_ =	shalt  }
0x86: {  	_ =	shalt  }
0x87: {  	_ =	shalt  }
.Lfunc_end0:
.L_simem_size_0:
called_computation_lowered:
.L_overlay_start_0:
0x88: {  	s2 =	sld [smem:$0x3FD9]  }
0x89: {  	s3 =	sld [smem:$0x3FFE];
	_ =	sdelay $0x1  }
0x8a: {  	s1 =	srdreg.scid  }
0x8b: {  	s0 =	sand.u32 $0x1, s1  }
0x8c: {  	s18 =	sshll.u32 s0, $0xA;
	s2 =	sadd.s32 s3, s2  }
0x8d: {  	s2 =	sadd.s32 s2, s18  }
0x8e: {  	[smem:$0x3FC7] =	sst s2  }
0x8f: {  	_ = 	snop  }
0x90: {  	s2 =	sld [smem:$0x3FC9]  }
0x91: {  	s19 =	sld [smem:$0x3FD0];
	(tm) =	ssettm $0x1  }
0x92: {  	s4 =	sld [smem:$0x3FFB];
	_ =	sdelay $0x3  }
0x93: {  	_ =	strace s4  }
0x94: {  	s4 =	sld [smem:$0x3FFC];
	_ =	sdelay $0x3  }
0x95: {  	_ =	strace s4  }
0x96: {  	s4 =	sld [smem:$0x3FFD];
	_ =	sdelay $0x3  }
0x97: {  	_ =	strace s4  }
0x98: {  	_ =	strace $0x8FFFFFFF  }
0x99: {  	s20 =	sld [smem:$0x3FDB];
	_ =	sdelay $0x1  }
0x9a: {  	s5 =	simm.s32 $_scs_section_size  }
0x9b: {  	s6 =	simm.s32 $_size__tile_overlayer_lowered;
	s7 =	simm.s32 $_tile_overlayer_lowered  }
0x9c: {  	s23 =	simm.s32 $0x1BFF;
	s22 =	sshll.u32 s7, $0x1;
	s4 =	sadd.s32 s5, s20  }
0x9d: {  	s8 =	simm.s32 $0x0;
	s21 =	sshll.u32 s6, $0x1;
	s6 =	sadd.s32 s22, s4  }
0x9e: {  	[timem:s8], [sflag:s23] =	dma.local [hbm:s6], s21  }
0x9f: {  	_ =	swait.ge [sflag:s23], s21  }
0xa0: {  	s5 =	ssub.s32 $0x0, s21;
	[sflag:s23] =	ssyncset.done $0x0  }
0xa1: {  	[sflag:s23] =	ssyncadd.s32 s5;
	_ =	sdelay $0x1  }
0xa2: {  	s24 =	simm.s32 $0x1B8B  }
0xa3: {  	_ =	swait.ge [sflag:s24], $0x1  }
0xa4: {  	[sflag:s24] =	ssyncset.done $0x0  }
0xa5: {  	s25 =	simm.s32 $0x1B8E;
	[sflag:s24] =	ssyncadd.s32 $0xFFFFFFFF  }
0xa6: {  	s26 =	simm.s32 $execute0_lowered;
	[smem:$0x3FD2] =	sst s25  }
0xa7: {  	s5 =	sshll.u32 s26, $0x1;
	_ =	strace $0x80000046;
	[dreg:$0x1] =	wrdreg $0xFFFFFFFF  }
0xa8: {  	s28 =	simm.s32 $_size_execute0_lowered;
	s4 =	sadd.s32 s4, s5;
	[dreg:$0x0] =	wrdreg $0x0  }
0xa9: {  	s5 =	sshll.u32 s28, $0x1;
	[dreg:$0x2] =	wrdreg s4  }
0xaa: {  	[dreg:$0x3] =	wrdreg s5  }
0xab: {  	[dreg:$0x4] =	wrdreg $0xC0  }
0xac: {  	_ =	task [dreg:s8], $0x5FFFF  }
0xad: {  	[dreg:$0x1] =	wrdreg $0xFFFFFFFF  }
0xae: {  	[dreg:$0x0] =	wrdreg $0x60  }
0xaf: {  	[dreg:$0x2] =	wrdreg s2  }
0xb0: {  	[dreg:$0x3] =	wrdreg s19  }
0xb1: {  	[dreg:$0x4] =	wrdreg $0x9  }
0xb2: {  	_ =	task.clear_ibuf [dreg:s8], $0x5FFFF;
	_ =	strace $0x90000046  }
0xb3: {  	s29 =	simm.s32 $0x9;
	_ =	strace $0x80000048  }
0xb4: {  	_ =	swait.ge [sflag:s29], $0x1  }
0xb5: {  	[sflag:s29] =	ssyncadd.s32 $0xFFFFFFFF  }
0xb6: {  	_ =	strace $0x90000048  }
0xb7: {  	_ =	sfence  }
0xb8: {  	s30 =	sld [smem:$0x0];
	_ =	sdelay $0x2  }
0xb9: {  	s31 =	sshll.u32 s1, $0xD;
	s1 =	sshrl.u32 s1, $0x2  }
0xba: {  	s3 =	sand.u32 $0x4000, s31;
	s1 =	sadd.s32 s1, s30  }
0xbb: {  	s0 =	sor.u32 s3, s0;
	s1 =	sshll.u32 s1, $0x11  }
0xbc: {  	s0 =	sor.u32 s1, s0  }
0xbd: {  	s0 =	sadd.s32 $0x8F2B, s0  }
0xbe: {  	[sflag:s0] =	ssyncadd.remote.s32 $0x1  }
0xbf: {  	_ =	sfence.sel $0xFFFF  }
0xc0: {  	[dreg:$0x0] =	wrdreg $0xFFFFFFFF;
	(pc) =	sbr.abs _section_cstart, $3  }
0xc1: {  	[dreg:$0x1] =	wrdreg $0xFFFFFFFF  }
0xc2: {  	_ =	task.clear_ibuf [dreg:s8], $0x2FFFF;
	_ =	strace $0x9FFFFFFF  }
0xc3: {  	(tm) =	ssettm $0x7FFFFFFF  }
tec
execute0_lowered:
.L_overlay_start_1:
0x0: {  	(tag) =	ssettag $0x1  }
0x1: {  	s0 =	srdreg.scid  }
0x2: {  	s4 =	sand.u32 $0x1, s0;
	s0 =	stileid.u32  }
0x3: {  	s5 =	sshll.u32 s0, $0x1;
	s6 =	ssub.s32 $0x0, s4  }
0x4: {  	p0 =	sne.s32 s5, s6  }
.Ltmp0:
0x5: {  	_ = 	snop;
	(pc) =	sbr.rel @p0 .LBB2_7-.Ltmp0, $4  }
0x6: {  	_ = 	snop  }
0x7: {  	s2 =	rddreg [dreg:$0x0]  }
0x8: {  	s3 =	rddreg [dreg:$0x1]  }
0x9: {  	s1 =	rddreg [dreg:$0x2];
	_ =	strace $0x80000047  }
0xa: {  	s4 =	ssub.s32 $0x2, s4  }
0xb: {  	s5 =	sshrl.u32 s4, $0x1  }
0xc: {  	s6 =	simm.s32 $0x1;
	s7 =	simm.s32 $0x480;
	s4 =	ssub.s32 s4, s5  }
0xd: {  	s8 =	simm.s32 $0x0;
	s5 =	simm.s32 $0x0;
	s4 =	smax.u32 s4, $0x1  }
.LBB2_2:
0xe: {  	[tilespmem:s5], [sflag:$0x1] =	stream.linear.gather [hbm4b:s2+s5], $0x480, $0x38;
	[tilespmem:$0xA680] =	vst v63  }
0xf: {  	_ =	swait.ge [sflag:s6], $0x480  }
0x10: {  	[sflag:s6] =	ssyncset.done $0x0  }
0x11: {  	[sflag:s6] =	ssyncadd.s32 $0xFFFFFB80  }
0x12: {  	v0 =	vld [tilespmem:$0x0];
	_ =	sdelay $0x4  }
0x13: {  	v0 =	vadd.f32 v0, v0;
	_ =	sdelay $0x1  }
0x14: {  	v0 =	vmul.f32 $1.442695020e+00, v0;
	_ =	sdelay $0x1  }
0x15: {  	(erf) = vpow2.f32 v0;
	_ =	sdelay $0x3  }
0x16: {  	v24 =	vld [tilespmem:$0x10];
	_ =	sdelay $0x4  }
0x17: {  	v0 =	vadd.f32 v24, v24;
	v1 =	vpop (erf)  }
0x18: {  	v1 =	vadd.f32 $1.000000000e+00, v1  }
0x19: {  	v0 =	vmul.f32 $1.442695020e+00, v0  }
0x1a: {  	(erf) = vrcp.f32 v1  }
0x1b: {  	(erf) = vpow2.f32 v0;
	_ =	sdelay $0x3  }
0x1c: {  	v25 =	vld [tilespmem:$0x20];
	_ =	sdelay $0x3  }
0x1d: {  	v4 =	vpop (erf)  }
0x1e: {  	v0 =	vadd.f32 v25, v25;
	v26 =	vpop (erf)  }
0x1f: {  	v1 =	vadd.f32 $1.000000000e+00, v26  }
0x20: {  	v0 =	vmul.f32 $1.442695020e+00, v0  }
0x21: {  	(erf) = vrcp.f32 v1  }
0x22: {  	(erf) = vpow2.f32 v0;
	_ =	sdelay $0x3  }
0x23: {  	v27 =	vld [tilespmem:$0x30];
	_ =	sdelay $0x3  }
0x24: {  	v5 =	vpop (erf)  }
0x25: {  	v0 =	vadd.f32 v27, v27;
	v28 =	vpop (erf)  }
0x26: {  	v1 =	vadd.f32 $1.000000000e+00, v28  }
0x27: {  	v0 =	vmul.f32 $1.442695020e+00, v0  }
0x28: {  	(erf) = vrcp.f32 v1  }
0x29: {  	(erf) = vpow2.f32 v0;
	_ =	sdelay $0x3  }
0x2a: {  	v29 =	vld [tilespmem:$0x40];
	_ =	sdelay $0x3  }
0x2b: {  	v6 =	vpop (erf)  }
0x2c: {  	v0 =	vadd.f32 v29, v29;
	v30 =	vpop (erf)  }
0x2d: {  	v1 =	vadd.f32 $1.000000000e+00, v30  }
0x2e: {  	v0 =	vmul.f32 $1.442695020e+00, v0  }
0x2f: {  	(erf) = vrcp.f32 v1  }
0x30: {  	(erf) = vpow2.f32 v0;
	_ =	sdelay $0x3  }
0x31: {  	v31 =	vld [tilespmem:$0x50];
	_ =	sdelay $0x3  }
0x32: {  	v7 =	vpop (erf)  }
0x33: {  	v0 =	vadd.f32 v31, v31;
	v32 =	vpop (erf)  }
0x34: {  	v1 =	vadd.f32 $1.000000000e+00, v32  }
0x35: {  	v0 =	vmul.f32 $1.442695020e+00, v0  }
0x36: {  	(erf) = vrcp.f32 v1  }
0x37: {  	(erf) = vpow2.f32 v0;
	_ =	sdelay $0x3  }
0x38: {  	v33 =	vld [tilespmem:$0x60];
	_ =	sdelay $0x3  }
0x39: {  	v8 =	vpop (erf)  }
0x3a: {  	v0 =	vadd.f32 v33, v33;
	v34 =	vpop (erf)  }
0x3b: {  	v1 =	vadd.f32 $1.000000000e+00, v34  }
0x3c: {  	v0 =	vmul.f32 $1.442695020e+00, v0  }
0x3d: {  	(erf) = vrcp.f32 v1  }
0x3e: {  	(erf) = vpow2.f32 v0;
	_ =	sdelay $0x3  }
0x3f: {  	v35 =	vld [tilespmem:$0x70];
	_ =	sdelay $0x3  }
0x40: {  	v9 =	vpop (erf)  }
0x41: {  	v0 =	vadd.f32 v35, v35;
	v36 =	vpop (erf)  }
0x42: {  	v1 =	vadd.f32 $1.000000000e+00, v36  }
0x43: {  	v0 =	vmul.f32 $1.442695020e+00, v0  }
0x44: {  	(erf) = vrcp.f32 v1  }
0x45: {  	(erf) = vpow2.f32 v0;
	_ =	sdelay $0x3  }
0x46: {  	v37 =	vld [tilespmem:$0x80];
	_ =	sdelay $0x3  }
0x47: {  	v1 =	vpop (erf)  }
0x48: {  	v0 =	vadd.f32 v37, v37;
	v38 =	vpop (erf)  }
0x49: {  	[tilespmem:$0x1FFA0] =	vst v1;
	v1 =	vadd.f32 $1.000000000e+00, v38  }
0x4a: {  	v0 =	vmul.f32 $1.442695020e+00, v0  }
0x4b: {  	(erf) = vrcp.f32 v1  }
0x4c: {  	(erf) = vpow2.f32 v0;
	_ =	sdelay $0x3  }
0x4d: {  	v39 =	vld [tilespmem:$0x90];
	_ =	sdelay $0x3  }
0x4e: {  	v1 =	vpop (erf)  }
0x4f: {  	v0 =	vadd.f32 v39, v39;
	v40 =	vpop (erf)  }
0x50: {  	[tilespmem:$0x1FFB0] =	vst v1;
	v1 =	vadd.f32 $1.000000000e+00, v40  }
0x51: {  	v0 =	vmul.f32 $1.442695020e+00, v0  }
0x52: {  	(erf) = vrcp.f32 v1  }
0x53: {  	(erf) = vpow2.f32 v0;
	_ =	sdelay $0x3  }
0x54: {  	v41 =	vld [tilespmem:$0xA0];
	_ =	sdelay $0x3  }
0x55: {  	v1 =	vpop (erf)  }
0x56: {  	v0 =	vadd.f32 v41, v41;
	v42 =	vpop (erf)  }
0x57: {  	[tilespmem:$0x1FFC0] =	vst v1;
	v1 =	vadd.f32 $1.000000000e+00, v42  }
0x58: {  	v0 =	vmul.f32 $1.442695020e+00, v0  }
0x59: {  	(erf) = vrcp.f32 v1  }
0x5a: {  	(erf) = vpow2.f32 v0;
	_ =	sdelay $0x3  }
0x5b: {  	v43 =	vld [tilespmem:$0xB0];
	_ =	sdelay $0x3  }
0x5c: {  	v1 =	vpop (erf)  }
0x5d: {  	v0 =	vadd.f32 v43, v43;
	v44 =	vpop (erf)  }
0x5e: {  	[tilespmem:$0x1FFD0] =	vst v1;
	v1 =	vadd.f32 $1.000000000e+00, v44  }
0x5f: {  	v0 =	vmul.f32 $1.442695020e+00, v0  }
0x60: {  	(erf) = vrcp.f32 v1  }
0x61: {  	(erf) = vpow2.f32 v0;
	_ =	sdelay $0x3  }
0x62: {  	v45 =	vld [tilespmem:$0xC0];
	_ =	sdelay $0x3  }
0x63: {  	v1 =	vpop (erf)  }
0x64: {  	v0 =	vadd.f32 v45, v45;
	v46 =	vpop (erf)  }
0x65: {  	[tilespmem:$0x1FFE0] =	vst v1;
	v1 =	vadd.f32 $1.000000000e+00, v46  }
0x66: {  	v0 =	vmul.f32 $1.442695020e+00, v0  }
0x67: {  	(erf) = vrcp.f32 v1  }
0x68: {  	(erf) = vpow2.f32 v0;
	_ =	sdelay $0x3  }
0x69: {  	v47 =	vld [tilespmem:$0xD0];
	_ =	sdelay $0x3  }
0x6a: {  	v1 =	vpop (erf)  }
0x6b: {  	v0 =	vadd.f32 v47, v47;
	v48 =	vpop (erf)  }
0x6c: {  	[tilespmem:$0x1FFF0] =	vst v1;
	v1 =	vadd.f32 $1.000000000e+00, v48  }
0x6d: {  	v0 =	vmul.f32 $1.442695020e+00, v0  }
0x6e: {  	(erf) = vrcp.f32 v1  }
0x6f: {  	(erf) = vpow2.f32 v0;
	_ =	sdelay $0x3  }
0x70: {  	v49 =	vld [tilespmem:$0xE0];
	_ =	sdelay $0x3  }
0x71: {  	v12 =	vpop (erf)  }
0x72: {  	v0 =	vadd.f32 v49, v49;
	v50 =	vpop (erf)  }
0x73: {  	v1 =	vadd.f32 $1.000000000e+00, v50  }
0x74: {  	v0 =	vmul.f32 $1.442695020e+00, v0  }
0x75: {  	(erf) = vrcp.f32 v1  }
0x76: {  	(erf) = vpow2.f32 v0;
	_ =	sdelay $0x3  }
0x77: {  	v51 =	vld [tilespmem:$0xF0];
	_ =	sdelay $0x3  }
0x78: {  	v13 =	vpop (erf)  }
0x79: {  	v0 =	vadd.f32 v51, v51;
	v52 =	vpop (erf)  }
0x7a: {  	v1 =	vadd.f32 $1.000000000e+00, v52  }
0x7b: {  	v0 =	vmul.f32 $1.442695020e+00, v0  }
0x7c: {  	(erf) = vrcp.f32 v1  }
0x7d: {  	(erf) = vpow2.f32 v0;
	_ =	sdelay $0x3  }
0x7e: {  	v53 =	vld [tilespmem:$0x100];
	_ =	sdelay $0x3  }
0x7f: {  	v14 =	vpop (erf)  }
0x80: {  	v0 =	vadd.f32 v53, v53;
	v54 =	vpop (erf)  }
0x81: {  	v1 =	vadd.f32 $1.000000000e+00, v54  }
0x82: {  	v0 =	vmul.f32 $1.442695020e+00, v0  }
0x83: {  	(erf) = vrcp.f32 v1  }
0x84: {  	(erf) = vpow2.f32 v0;
	_ =	sdelay $0x3  }
0x85: {  	v55 =	vld [tilespmem:$0x110];
	_ =	sdelay $0x3  }
0x86: {  	v15 =	vpop (erf)  }
0x87: {  	v0 =	vadd.f32 v55, v55;
	v56 =	vpop (erf)  }
0x88: {  	v1 =	vadd.f32 $1.000000000e+00, v56  }
0x89: {  	v0 =	vmul.f32 $1.442695020e+00, v0  }
0x8a: {  	(erf) = vrcp.f32 v1  }
0x8b: {  	(erf) = vpow2.f32 v0;
	_ =	sdelay $0x3  }
0x8c: {  	v57 =	vld [tilespmem:$0x120];
	_ =	sdelay $0x3  }
0x8d: {  	v16 =	vpop (erf)  }
0x8e: {  	v0 =	vadd.f32 v57, v57;
	v58 =	vpop (erf)  }
0x8f: {  	v1 =	vadd.f32 $1.000000000e+00, v58  }
0x90: {  	v0 =	vmul.f32 $1.442695020e+00, v0  }
0x91: {  	(erf) = vrcp.f32 v1  }
0x92: {  	(erf) = vpow2.f32 v0;
	_ =	sdelay $0x3  }
0x93: {  	v59 =	vld [tilespmem:$0x130];
	_ =	sdelay $0x3  }
0x94: {  	v17 =	vpop (erf)  }
0x95: {  	v0 =	vadd.f32 v59, v59;
	v60 =	vpop (erf)  }
0x96: {  	v1 =	vadd.f32 $1.000000000e+00, v60  }
0x97: {  	v0 =	vmul.f32 $1.442695020e+00, v0  }
0x98: {  	(erf) = vrcp.f32 v1  }
0x99: {  	(erf) = vpow2.f32 v0;
	_ =	sdelay $0x3  }
0x9a: {  	v61 =	vld [tilespmem:$0x140];
	_ =	sdelay $0x3  }
0x9b: {  	v18 =	vpop (erf)  }
0x9c: {  	v0 =	vadd.f32 v61, v61;
	v62 =	vpop (erf)  }
0x9d: {  	v1 =	vadd.f32 $1.000000000e+00, v62  }
0x9e: {  	v0 =	vmul.f32 $1.442695020e+00, v0  }
0x9f: {  	(erf) = vrcp.f32 v1  }
0xa0: {  	(erf) = vpow2.f32 v0;
	_ =	sdelay $0x3  }
0xa1: {  	v63 =	vld [tilespmem:$0x150];
	_ =	sdelay $0x3  }
0xa2: {  	v19 =	vpop (erf)  }
0xa3: {  	v0 =	vadd.f32 v63, v63;
	v10 =	vpop (erf)  }
0xa4: {  	v1 =	vadd.f32 $1.000000000e+00, v10  }
0xa5: {  	v0 =	vmul.f32 $1.442695020e+00, v0  }
0xa6: {  	(erf) = vrcp.f32 v1  }
0xa7: {  	(erf) = vpow2.f32 v0;
	_ =	sdelay $0x3  }
0xa8: {  	v11 =	vld [tilespmem:$0x160];
	_ =	sdelay $0x3  }
0xa9: {  	v20 =	vpop (erf)  }
0xaa: {  	v0 =	vadd.f32 v11, v11;
	v24 =	vpop (erf)  }
0xab: {  	v1 =	vadd.f32 $1.000000000e+00, v24  }
0xac: {  	v0 =	vmul.f32 $1.442695020e+00, v0  }
0xad: {  	(erf) = vrcp.f32 v1  }
0xae: {  	(erf) = vpow2.f32 v0;
	_ =	sdelay $0x3  }
0xaf: {  	v25 =	vld [tilespmem:$0x170];
	_ =	sdelay $0x3  }
0xb0: {  	v22 =	vpop (erf)  }
0xb1: {  	v0 =	vadd.f32 v25, v25;
	v26 =	vpop (erf)  }
0xb2: {  	v1 =	vadd.f32 $1.000000000e+00, v26  }
0xb3: {  	v0 =	vmul.f32 $1.442695020e+00, v0  }
0xb4: {  	(erf) = vrcp.f32 v1  }
0xb5: {  	(erf) = vpow2.f32 v0;
	_ =	sdelay $0x3  }
0xb6: {  	v27 =	vld [tilespmem:$0x180];
	_ =	sdelay $0x3  }
0xb7: {  	v21 =	vpop (erf)  }
0xb8: {  	v0 =	vadd.f32 v27, v27;
	v28 =	vpop (erf)  }
0xb9: {  	v1 =	vadd.f32 $1.000000000e+00, v28  }
0xba: {  	v0 =	vmul.f32 $1.442695020e+00, v0  }
0xbb: {  	(erf) = vrcp.f32 v1  }
0xbc: {  	(erf) = vpow2.f32 v0;
	_ =	sdelay $0x3  }
0xbd: {  	v29 =	vld [tilespmem:$0x190];
	_ =	sdelay $0x3  }
0xbe: {  	v23 =	vpop (erf)  }
0xbf: {  	v0 =	vadd.f32 v29, v29;
	v30 =	vpop (erf)  }
0xc0: {  	v1 =	vadd.f32 $1.000000000e+00, v30  }
0xc1: {  	v0 =	vmul.f32 $1.442695020e+00, v0  }
0xc2: {  	(erf) = vrcp.f32 v1  }
0xc3: {  	(erf) = vpow2.f32 v0;
	_ =	sdelay $0x3  }
0xc4: {  	v31 =	vld [tilespmem:$0x1A0];
	_ =	sdelay $0x3  }
0xc5: {  	v24 =	vpop (erf)  }
0xc6: {  	v0 =	vadd.f32 v31, v31;
	v32 =	vpop (erf)  }
0xc7: {  	v1 =	vadd.f32 $1.000000000e+00, v32  }
0xc8: {  	v0 =	vmul.f32 $1.442695020e+00, v0  }
0xc9: {  	(erf) = vrcp.f32 v1  }
0xca: {  	(erf) = vpow2.f32 v0;
	_ =	sdelay $0x3  }
0xcb: {  	v33 =	vld [tilespmem:$0x1B0];
	_ =	sdelay $0x3  }
0xcc: {  	v25 =	vpop (erf)  }
0xcd: {  	v0 =	vadd.f32 v33, v33;
	v34 =	vpop (erf)  }
0xce: {  	v1 =	vadd.f32 $1.000000000e+00, v34  }
0xcf: {  	v0 =	vmul.f32 $1.442695020e+00, v0  }
0xd0: {  	(erf) = vrcp.f32 v1  }
0xd1: {  	(erf) = vpow2.f32 v0;
	_ =	sdelay $0x3  }
0xd2: {  	v35 =	vld [tilespmem:$0x1C0];
	_ =	sdelay $0x3  }
0xd3: {  	v26 =	vpop (erf)  }
0xd4: {  	v0 =	vadd.f32 v35, v35;
	v36 =	vpop (erf)  }
0xd5: {  	v1 =	vadd.f32 $1.000000000e+00, v36  }
0xd6: {  	v0 =	vmul.f32 $1.442695020e+00, v0  }
0xd7: {  	(erf) = vrcp.f32 v1  }
0xd8: {  	(erf) = vpow2.f32 v0;
	_ =	sdelay $0x3  }
0xd9: {  	v37 =	vld [tilespmem:$0x1D0];
	_ =	sdelay $0x3  }
0xda: {  	v27 =	vpop (erf)  }
0xdb: {  	v0 =	vadd.f32 v37, v37;
	v38 =	vpop (erf)  }
0xdc: {  	v1 =	vadd.f32 $1.000000000e+00, v38  }
0xdd: {  	v0 =	vmul.f32 $1.442695020e+00, v0  }
0xde: {  	(erf) = vrcp.f32 v1  }
0xdf: {  	(erf) = vpow2.f32 v0;
	_ =	sdelay $0x3  }
0xe0: {  	v39 =	vld [tilespmem:$0x1E0];
	_ =	sdelay $0x3  }
0xe1: {  	v28 =	vpop (erf)  }
0xe2: {  	v0 =	vadd.f32 v39, v39;
	v40 =	vpop (erf)  }
0xe3: {  	v1 =	vadd.f32 $1.000000000e+00, v40  }
0xe4: {  	v0 =	vmul.f32 $1.442695020e+00, v0  }
0xe5: {  	(erf) = vrcp.f32 v1  }
0xe6: {  	(erf) = vpow2.f32 v0;
	_ =	sdelay $0x3  }
0xe7: {  	v41 =	vld [tilespmem:$0x1F0];
	_ =	sdelay $0x3  }
0xe8: {  	v29 =	vpop (erf)  }
0xe9: {  	v0 =	vadd.f32 v41, v41;
	v42 =	vpop (erf)  }
0xea: {  	v1 =	vadd.f32 $1.000000000e+00, v42  }
0xeb: {  	v0 =	vmul.f32 $1.442695020e+00, v0  }
0xec: {  	(erf) = vrcp.f32 v1  }
0xed: {  	(erf) = vpow2.f32 v0;
	_ =	sdelay $0x3  }
0xee: {  	v43 =	vld [tilespmem:$0x200];
	_ =	sdelay $0x3  }
0xef: {  	v30 =	vpop (erf)  }
0xf0: {  	v0 =	vadd.f32 v43, v43;
	v44 =	vpop (erf)  }
0xf1: {  	v1 =	vadd.f32 $1.000000000e+00, v44  }
0xf2: {  	v0 =	vmul.f32 $1.442695020e+00, v0  }
0xf3: {  	(erf) = vrcp.f32 v1  }
0xf4: {  	(erf) = vpow2.f32 v0;
	_ =	sdelay $0x3  }
0xf5: {  	v45 =	vld [tilespmem:$0x210];
	_ =	sdelay $0x3  }
0xf6: {  	v31 =	vpop (erf)  }
0xf7: {  	v0 =	vadd.f32 v45, v45;
	v46 =	vpop (erf)  }
0xf8: {  	v1 =	vadd.f32 $1.000000000e+00, v46  }
0xf9: {  	v0 =	vmul.f32 $1.442695020e+00, v0  }
0xfa: {  	(erf) = vrcp.f32 v1  }
0xfb: {  	(erf) = vpow2.f32 v0;
	_ =	sdelay $0x3  }
0xfc: {  	v47 =	vld [tilespmem:$0x220];
	_ =	sdelay $0x3  }
0xfd: {  	v32 =	vpop (erf)  }
0xfe: {  	v0 =	vadd.f32 v47, v47;
	v48 =	vpop (erf)  }
0xff: {  	v1 =	vadd.f32 $1.000000000e+00, v48  }
0x100: {  	v0 =	vmul.f32 $1.442695020e+00, v0  }
0x101: {  	(erf) = vrcp.f32 v1  }
0x102: {  	(erf) = vpow2.f32 v0;
	_ =	sdelay $0x3  }
0x103: {  	v49 =	vld [tilespmem:$0x230];
	_ =	sdelay $0x3  }
0x104: {  	v34 =	vpop (erf)  }
0x105: {  	v0 =	vadd.f32 v49, v49;
	v50 =	vpop (erf)  }
0x106: {  	v1 =	vadd.f32 $1.000000000e+00, v50  }
0x107: {  	v0 =	vmul.f32 $1.442695020e+00, v0  }
0x108: {  	(erf) = vrcp.f32 v1  }
0x109: {  	(erf) = vpow2.f32 v0;
	_ =	sdelay $0x3  }
0x10a: {  	v51 =	vld [tilespmem:$0x240];
	_ =	sdelay $0x3  }
0x10b: {  	v33 =	vpop (erf)  }
0x10c: {  	v0 =	vadd.f32 v51, v51;
	v52 =	vpop (erf)  }
0x10d: {  	v1 =	vadd.f32 $1.000000000e+00, v52  }
0x10e: {  	v0 =	vmul.f32 $1.442695020e+00, v0  }
0x10f: {  	(erf) = vrcp.f32 v1  }
0x110: {  	(erf) = vpow2.f32 v0;
	_ =	sdelay $0x3  }
0x111: {  	v53 =	vld [tilespmem:$0x250];
	_ =	sdelay $0x3  }
0x112: {  	v35 =	vpop (erf)  }
0x113: {  	v0 =	vadd.f32 v53, v53;
	v54 =	vpop (erf)  }
0x114: {  	v1 =	vadd.f32 $1.000000000e+00, v54  }
0x115: {  	v0 =	vmul.f32 $1.442695020e+00, v0  }
0x116: {  	(erf) = vrcp.f32 v1  }
0x117: {  	(erf) = vpow2.f32 v0;
	_ =	sdelay $0x3  }
0x118: {  	v55 =	vld [tilespmem:$0x260];
	_ =	sdelay $0x3  }
0x119: {  	v36 =	vpop (erf)  }
0x11a: {  	v0 =	vadd.f32 v55, v55;
	v56 =	vpop (erf)  }
0x11b: {  	v1 =	vadd.f32 $1.000000000e+00, v56  }
0x11c: {  	v0 =	vmul.f32 $1.442695020e+00, v0  }
0x11d: {  	(erf) = vrcp.f32 v1  }
0x11e: {  	(erf) = vpow2.f32 v0;
	_ =	sdelay $0x3  }
0x11f: {  	v57 =	vld [tilespmem:$0x270];
	_ =	sdelay $0x3  }
0x120: {  	v37 =	vpop (erf)  }
0x121: {  	v0 =	vadd.f32 v57, v57;
	v58 =	vpop (erf)  }
0x122: {  	v1 =	vadd.f32 $1.000000000e+00, v58  }
0x123: {  	v0 =	vmul.f32 $1.442695020e+00, v0  }
0x124: {  	(erf) = vrcp.f32 v1  }
0x125: {  	(erf) = vpow2.f32 v0;
	_ =	sdelay $0x3  }
0x126: {  	v59 =	vld [tilespmem:$0x280];
	_ =	sdelay $0x3  }
0x127: {  	v38 =	vpop (erf)  }
0x128: {  	v0 =	vadd.f32 v59, v59;
	v60 =	vpop (erf)  }
0x129: {  	v1 =	vadd.f32 $1.000000000e+00, v60  }
0x12a: {  	v0 =	vmul.f32 $1.442695020e+00, v0  }
0x12b: {  	(erf) = vrcp.f32 v1  }
0x12c: {  	(erf) = vpow2.f32 v0;
	_ =	sdelay $0x3  }
0x12d: {  	v61 =	vld [tilespmem:$0x290];
	_ =	sdelay $0x3  }
0x12e: {  	v39 =	vpop (erf)  }
0x12f: {  	v0 =	vadd.f32 v61, v61;
	v62 =	vpop (erf)  }
0x130: {  	v1 =	vadd.f32 $1.000000000e+00, v62  }
0x131: {  	v0 =	vmul.f32 $1.442695020e+00, v0  }
0x132: {  	(erf) = vrcp.f32 v1  }
0x133: {  	(erf) = vpow2.f32 v0;
	_ =	sdelay $0x3  }
0x134: {  	v63 =	vld [tilespmem:$0x2A0];
	_ =	sdelay $0x3  }
0x135: {  	v40 =	vpop (erf)  }
0x136: {  	v0 =	vadd.f32 v63, v63;
	v10 =	vpop (erf)  }
0x137: {  	v1 =	vadd.f32 $1.000000000e+00, v10  }
0x138: {  	v0 =	vmul.f32 $1.442695020e+00, v0  }
0x139: {  	(erf) = vrcp.f32 v1  }
0x13a: {  	(erf) = vpow2.f32 v0;
	_ =	sdelay $0x3  }
0x13b: {  	v11 =	vld [tilespmem:$0x2B0];
	_ =	sdelay $0x3  }
0x13c: {  	v41 =	vpop (erf)  }
0x13d: {  	v0 =	vadd.f32 v11, v11;
	v44 =	vpop (erf)  }
0x13e: {  	v1 =	vadd.f32 $1.000000000e+00, v44  }
0x13f: {  	v0 =	vmul.f32 $1.442695020e+00, v0  }
0x140: {  	(erf) = vrcp.f32 v1  }
0x141: {  	(erf) = vpow2.f32 v0;
	_ =	sdelay $0x3  }
0x142: {  	v45 =	vld [tilespmem:$0x2C0];
	_ =	sdelay $0x3  }
0x143: {  	v42 =	vpop (erf)  }
0x144: {  	v0 =	vadd.f32 v45, v45;
	v46 =	vpop (erf)  }
0x145: {  	v1 =	vadd.f32 $1.000000000e+00, v46  }
0x146: {  	v0 =	vmul.f32 $1.442695020e+00, v0  }
0x147: {  	(erf) = vrcp.f32 v1  }
0x148: {  	(erf) = vpow2.f32 v0;
	_ =	sdelay $0x3  }
0x149: {  	v47 =	vld [tilespmem:$0x2D0];
	_ =	sdelay $0x3  }
0x14a: {  	v43 =	vpop (erf)  }
0x14b: {  	v0 =	vadd.f32 v47, v47;
	v48 =	vpop (erf)  }
0x14c: {  	v1 =	vadd.f32 $1.000000000e+00, v48  }
0x14d: {  	v0 =	vmul.f32 $1.442695020e+00, v0  }
0x14e: {  	(erf) = vrcp.f32 v1  }
0x14f: {  	(erf) = vpow2.f32 v0;
	_ =	sdelay $0x3  }
0x150: {  	v49 =	vld [tilespmem:$0x2E0];
	_ =	sdelay $0x3  }
0x151: {  	v44 =	vpop (erf)  }
0x152: {  	v0 =	vadd.f32 v49, v49;
	v50 =	vpop (erf)  }
0x153: {  	v1 =	vadd.f32 $1.000000000e+00, v50  }
0x154: {  	v0 =	vmul.f32 $1.442695020e+00, v0  }
0x155: {  	(erf) = vrcp.f32 v1  }
0x156: {  	(erf) = vpow2.f32 v0;
	_ =	sdelay $0x3  }
0x157: {  	v51 =	vld [tilespmem:$0x2F0];
	_ =	sdelay $0x3  }
0x158: {  	v46 =	vpop (erf)  }
0x159: {  	v0 =	vadd.f32 v51, v51;
	v52 =	vpop (erf)  }
0x15a: {  	v1 =	vadd.f32 $1.000000000e+00, v52  }
0x15b: {  	v0 =	vmul.f32 $1.442695020e+00, v0  }
0x15c: {  	(erf) = vrcp.f32 v1  }
0x15d: {  	(erf) = vpow2.f32 v0;
	_ =	sdelay $0x3  }
0x15e: {  	v53 =	vld [tilespmem:$0x300];
	_ =	sdelay $0x3  }
0x15f: {  	v45 =	vpop (erf)  }
0x160: {  	v0 =	vadd.f32 v53, v53;
	v54 =	vpop (erf)  }
0x161: {  	v1 =	vadd.f32 $1.000000000e+00, v54  }
0x162: {  	v0 =	vmul.f32 $1.442695020e+00, v0  }
0x163: {  	(erf) = vrcp.f32 v1  }
0x164: {  	(erf) = vpow2.f32 v0;
	_ =	sdelay $0x3  }
0x165: {  	v55 =	vld [tilespmem:$0x310];
	_ =	sdelay $0x3  }
0x166: {  	v47 =	vpop (erf)  }
0x167: {  	v0 =	vadd.f32 v55, v55;
	v56 =	vpop (erf)  }
0x168: {  	v1 =	vadd.f32 $1.000000000e+00, v56  }
0x169: {  	v0 =	vmul.f32 $1.442695020e+00, v0  }
0x16a: {  	(erf) = vrcp.f32 v1  }
0x16b: {  	(erf) = vpow2.f32 v0;
	_ =	sdelay $0x3  }
0x16c: {  	v57 =	vld [tilespmem:$0x320];
	_ =	sdelay $0x3  }
0x16d: {  	v48 =	vpop (erf)  }
0x16e: {  	v0 =	vadd.f32 v57, v57;
	v58 =	vpop (erf)  }
0x16f: {  	v1 =	vadd.f32 $1.000000000e+00, v58  }
0x170: {  	v0 =	vmul.f32 $1.442695020e+00, v0  }
0x171: {  	(erf) = vrcp.f32 v1  }
0x172: {  	(erf) = vpow2.f32 v0;
	_ =	sdelay $0x3  }
0x173: {  	v59 =	vld [tilespmem:$0x330];
	_ =	sdelay $0x3  }
0x174: {  	v49 =	vpop (erf)  }
0x175: {  	v0 =	vadd.f32 v59, v59;
	v60 =	vpop (erf)  }
0x176: {  	v1 =	vadd.f32 $1.000000000e+00, v60  }
0x177: {  	v0 =	vmul.f32 $1.442695020e+00, v0  }
0x178: {  	(erf) = vrcp.f32 v1  }
0x179: {  	(erf) = vpow2.f32 v0;
	_ =	sdelay $0x3  }
0x17a: {  	v61 =	vld [tilespmem:$0x340];
	_ =	sdelay $0x3  }
0x17b: {  	v50 =	vpop (erf)  }
0x17c: {  	v0 =	vadd.f32 v61, v61;
	v62 =	vpop (erf)  }
0x17d: {  	v1 =	vadd.f32 $1.000000000e+00, v62  }
0x17e: {  	v0 =	vmul.f32 $1.442695020e+00, v0  }
0x17f: {  	(erf) = vrcp.f32 v1  }
0x180: {  	(erf) = vpow2.f32 v0;
	_ =	sdelay $0x3  }
0x181: {  	v63 =	vld [tilespmem:$0x350];
	_ =	sdelay $0x3  }
0x182: {  	v51 =	vpop (erf)  }
0x183: {  	v0 =	vadd.f32 v63, v63;
	v10 =	vpop (erf)  }
0x184: {  	v1 =	vadd.f32 $1.000000000e+00, v10  }
0x185: {  	v0 =	vmul.f32 $1.442695020e+00, v0  }
0x186: {  	(erf) = vrcp.f32 v1  }
0x187: {  	(erf) = vpow2.f32 v0;
	_ =	sdelay $0x3  }
0x188: {  	v11 =	vld [tilespmem:$0x360];
	_ =	sdelay $0x3  }
0x189: {  	v52 =	vpop (erf)  }
0x18a: {  	v0 =	vadd.f32 v11, v11;
	v56 =	vpop (erf)  }
0x18b: {  	v1 =	vadd.f32 $1.000000000e+00, v56  }
0x18c: {  	v0 =	vmul.f32 $1.442695020e+00, v0  }
0x18d: {  	(erf) = vrcp.f32 v1  }
0x18e: {  	(erf) = vpow2.f32 v0;
	_ =	sdelay $0x3  }
0x18f: {  	v57 =	vld [tilespmem:$0x370];
	_ =	sdelay $0x3  }
0x190: {  	v53 =	vpop (erf)  }
0x191: {  	v0 =	vadd.f32 v57, v57;
	v58 =	vpop (erf)  }
0x192: {  	v1 =	vadd.f32 $1.000000000e+00, v58  }
0x193: {  	v0 =	vmul.f32 $1.442695020e+00, v0  }
0x194: {  	(erf) = vrcp.f32 v1  }
0x195: {  	(erf) = vpow2.f32 v0;
	_ =	sdelay $0x3  }
0x196: {  	v59 =	vld [tilespmem:$0x380];
	_ =	sdelay $0x3  }
0x197: {  	v54 =	vpop (erf)  }
0x198: {  	v0 =	vadd.f32 v59, v59;
	v60 =	vpop (erf)  }
0x199: {  	v1 =	vadd.f32 $1.000000000e+00, v60  }
0x19a: {  	v0 =	vmul.f32 $1.442695020e+00, v0  }
0x19b: {  	(erf) = vrcp.f32 v1  }
0x19c: {  	(erf) = vpow2.f32 v0;
	_ =	sdelay $0x3  }
0x19d: {  	v61 =	vld [tilespmem:$0x390];
	_ =	sdelay $0x3  }
0x19e: {  	v55 =	vpop (erf)  }
0x19f: {  	v0 =	vadd.f32 v61, v61;
	v62 =	vpop (erf)  }
0x1a0: {  	v1 =	vadd.f32 $1.000000000e+00, v62  }
0x1a1: {  	v0 =	vmul.f32 $1.442695020e+00, v0  }
0x1a2: {  	(erf) = vrcp.f32 v1  }
0x1a3: {  	(erf) = vpow2.f32 v0;
	_ =	sdelay $0x3  }
0x1a4: {  	v63 =	vld [tilespmem:$0x3A0];
	_ =	sdelay $0x3  }
0x1a5: {  	v56 =	vpop (erf)  }
0x1a6: {  	v0 =	vadd.f32 v63, v63;
	v10 =	vpop (erf)  }
0x1a7: {  	v1 =	vadd.f32 $1.000000000e+00, v10  }
0x1a8: {  	v0 =	vmul.f32 $1.442695020e+00, v0  }
0x1a9: {  	(erf) = vrcp.f32 v1  }
0x1aa: {  	(erf) = vpow2.f32 v0;
	_ =	sdelay $0x3  }
0x1ab: {  	v11 =	vld [tilespmem:$0x3B0];
	_ =	sdelay $0x3  }
0x1ac: {  	v57 =	vpop (erf)  }
0x1ad: {  	v0 =	vadd.f32 v11, v11;
	v60 =	vpop (erf)  }
0x1ae: {  	v1 =	vadd.f32 $1.000000000e+00, v60  }
0x1af: {  	v0 =	vmul.f32 $1.442695020e+00, v0  }
0x1b0: {  	(erf) = vrcp.f32 v1  }
0x1b1: {  	(erf) = vpow2.f32 v0;
	_ =	sdelay $0x3  }
0x1b2: {  	v61 =	vld [tilespmem:$0x3C0];
	_ =	sdelay $0x3  }
0x1b3: {  	v58 =	vpop (erf)  }
0x1b4: {  	v0 =	vadd.f32 v61, v61;
	v62 =	vpop (erf)  }
0x1b5: {  	v1 =	vadd.f32 $1.000000000e+00, v62  }
0x1b6: {  	v0 =	vmul.f32 $1.442695020e+00, v0  }
0x1b7: {  	(erf) = vrcp.f32 v1  }
0x1b8: {  	(erf) = vpow2.f32 v0;
	_ =	sdelay $0x3  }
0x1b9: {  	v63 =	vld [tilespmem:$0x3D0];
	_ =	sdelay $0x3  }
0x1ba: {  	v59 =	vpop (erf)  }
0x1bb: {  	v0 =	vadd.f32 v63, v63;
	v10 =	vpop (erf)  }
0x1bc: {  	v1 =	vadd.f32 $1.000000000e+00, v10  }
0x1bd: {  	v0 =	vmul.f32 $1.442695020e+00, v0  }
0x1be: {  	(erf) = vrcp.f32 v1  }
0x1bf: {  	(erf) = vpow2.f32 v0;
	_ =	sdelay $0x3  }
0x1c0: {  	v11 =	vld [tilespmem:$0x3E0];
	_ =	sdelay $0x3  }
0x1c1: {  	v60 =	vpop (erf)  }
0x1c2: {  	v0 =	vadd.f32 v11, v11;
	v10 =	vpop (erf)  }
0x1c3: {  	v1 =	vadd.f32 $1.000000000e+00, v10  }
0x1c4: {  	v0 =	vmul.f32 $1.442695020e+00, v0  }
0x1c5: {  	(erf) = vrcp.f32 v1  }
0x1c6: {  	(erf) = vpow2.f32 v0;
	_ =	sdelay $0x3  }
0x1c7: {  	v11 =	vld [tilespmem:$0x3F0];
	_ =	sdelay $0x3  }
0x1c8: {  	v61 =	vpop (erf)  }
0x1c9: {  	v0 =	vadd.f32 v11, v11;
	v10 =	vpop (erf)  }
0x1ca: {  	v1 =	vadd.f32 $1.000000000e+00, v10  }
0x1cb: {  	v0 =	vmul.f32 $1.442695020e+00, v0  }
0x1cc: {  	(erf) = vrcp.f32 v1  }
0x1cd: {  	(erf) = vpow2.f32 v0;
	_ =	sdelay $0x3  }
0x1ce: {  	v11 =	vld [tilespmem:$0x400];
	_ =	sdelay $0x3  }
0x1cf: {  	v62 =	vpop (erf)  }
0x1d0: {  	v0 =	vadd.f32 v11, v11;
	v63 =	vpop (erf)  }
0x1d1: {  	v1 =	vadd.f32 $1.000000000e+00, v63  }
0x1d2: {  	v0 =	vmul.f32 $1.442695020e+00, v0  }
0x1d3: {  	(erf) = vrcp.f32 v1  }
0x1d4: {  	(erf) = vpow2.f32 v0;
	_ =	sdelay $0x3  }
0x1d5: {  	v10 =	vld [tilespmem:$0x410];
	_ =	sdelay $0x3  }
0x1d6: {  	v63 =	vpop (erf)  }
0x1d7: {  	v0 =	vadd.f32 v10, v10;
	v11 =	vpop (erf)  }
0x1d8: {  	v1 =	vadd.f32 $1.000000000e+00, v11  }
0x1d9: {  	v0 =	vmul.f32 $1.442695020e+00, v0  }
0x1da: {  	(erf) = vrcp.f32 v1  }
0x1db: {  	(erf) = vpow2.f32 v0;
	_ =	sdelay $0x3  }
0x1dc: {  	v0 =	vld [tilespmem:$0x420];
	_ =	sdelay $0x3  }
0x1dd: {  	v11 =	vpop (erf)  }
0x1de: {  	v0 =	vadd.f32 v0, v0;
	v2 =	vpop (erf)  }
0x1df: {  	v2 =	vadd.f32 $1.000000000e+00, v2  }
0x1e0: {  	v0 =	vmul.f32 $1.442695020e+00, v0  }
0x1e1: {  	(erf) = vrcp.f32 v2  }
0x1e2: {  	(erf) = vpow2.f32 v0;
	_ =	sdelay $0x3  }
0x1e3: {  	v2 =	vld [tilespmem:$0x430];
	_ =	sdelay $0x3  }
0x1e4: {  	v10 =	vpop (erf)  }
0x1e5: {  	v1 =	vadd.f32 v8, v8;
	v2 =	vadd.f32 v2, v2;
	v3 =	vpop (erf)  }
0x1e6: {  	v0 =	vadd.f32 v4, v4;
	v3 =	vadd.f32 $1.000000000e+00, v3  }
0x1e7: {  	v8 =	vsub.f32 $1.000000000e+00, v1;
	v2 =	vmul.f32 $1.442695020e+00, v2  }
0x1e8: {  	v1 =	vld [tilespmem:$0x1FFB0];
	v4 =	vsub.f32 $1.000000000e+00, v0;
	v0 =	vadd.f32 v7, v7;
	(erf) = vrcp.f32 v3  }
0x1e9: {  	[tilespmem:$0x40] =	vst v8;
	v8 =	vld [tilespmem:$0x1FFF0];
	(erf) = vpow2.f32 v2  }
0x1ea: {  	v6 =	vadd.f32 v6, v6;
	v7 =	vsub.f32 $1.000000000e+00, v0;
	v0 =	vld [tilespmem:$0x1FFA0]  }
0x1eb: {  	[tilespmem:$0x0] =	vst v4;
	v4 =	vld [tilespmem:$0x1FFD0];
	v3 =	vadd.f32 v5, v5  }
0x1ec: {  	v6 =	vsub.f32 $1.000000000e+00, v6;
	v12 =	vadd.f32 v12, v12  }
0x1ed: {  	v1 =	vadd.f32 v1, v1;
	v5 =	vsub.f32 $1.000000000e+00, v3;
	v3 =	vld [tilespmem:$0x440]  }
0x1ee: {  	v47 =	vadd.f32 v47, v47;
	[tilespmem:$0x30] =	vst v7;
	v7 =	vld [tilespmem:$0x1FFE0];
	v2 =	vadd.f32 v9, v9  }
0x1ef: {  	v8 =	vadd.f32 v8, v8;
	v0 =	vadd.f32 v0, v0  }
0x1f0: {  	v4 =	vadd.f32 v4, v4;
	v9 =	vsub.f32 $1.000000000e+00, v2;
	v2 =	vld [tilespmem:$0x1FFC0]  }
0x1f1: {  	v0 =	vsub.f32 $1.000000000e+00, v0;
	[tilespmem:$0x10] =	vst v5;
	v5 =	vsub.f32 $1.000000000e+00, v1;
	v1 =	vpop (erf)  }
0x1f2: {  	[tilespmem:$0x20] =	vst v6;
	v4 =	vsub.f32 $1.000000000e+00, v4;
	v3 =	vadd.f32 v3, v3;
	v6 =	vpop (erf)  }
0x1f3: {  	v7 =	vadd.f32 v7, v7;
	[tilespmem:$0x60] =	vst v0;
	v6 =	vadd.f32 $1.000000000e+00, v6  }
0x1f4: {  	v0 =	vsub.f32 $1.000000000e+00, v8;
	[tilespmem:$0x50] =	vst v9;
	v9 =	vadd.f32 v13, v13;
	v3 =	vmul.f32 $1.442695020e+00, v3  }
0x1f5: {  	v13 =	vadd.f32 v14, v14;
	v2 =	vadd.f32 v2, v2;
	(erf) = vrcp.f32 v6  }
0x1f6: {  	v14 =	vadd.f32 v15, v15;
	v15 =	vadd.f32 v16, v16;
	(erf) = vpow2.f32 v3  }
0x1f7: {  	[tilespmem:$0x70] =	vst v5;
	v5 =	vsub.f32 $1.000000000e+00, v9;
	v2 =	vsub.f32 $1.000000000e+00, v2  }
0x1f8: {  	[tilespmem:$0x90] =	vst v4;
	v16 =	vsub.f32 $1.000000000e+00, v13;
	v1 =	vadd.f32 v1, v1  }
0x1f9: {  	v13 =	vsub.f32 $1.000000000e+00, v15;
	[tilespmem:$0x80] =	vst v2;
	v2 =	vsub.f32 $1.000000000e+00, v14  }
0x1fa: {  	[tilespmem:$0xB0] =	vst v0;
	v14 =	vld [tilespmem:$0x450];
	v1 =	vsub.f32 $1.000000000e+00, v1;
	v3 =	vsub.f32 $1.000000000e+00, v12  }
0x1fb: {  	[tilespmem:$0xD0] =	vst v5;
	v6 =	vsub.f32 $1.000000000e+00, v7;
	v12 =	vadd.f32 v17, v17  }
0x1fc: {  	[tilespmem:$0xE0] =	vst v16;
	v17 =	vadd.f32 v18, v18;
	v18 =	vadd.f32 v19, v19  }
0x1fd: {  	[tilespmem:$0x100] =	vst v13;
	v19 =	vadd.f32 v20, v20;
	v20 =	vadd.f32 v22, v22  }
0x1fe: {  	v15 =	vsub.f32 $1.000000000e+00, v12;
	[tilespmem:$0xC0] =	vst v3;
	v5 =	vsub.f32 $1.000000000e+00, v17;
	v3 =	vpop (erf)  }
0x1ff: {  	[tilespmem:$0xF0] =	vst v2;
	v22 =	vsub.f32 $1.000000000e+00, v18;
	v8 =	vadd.f32 v14, v14;
	v16 =	vpop (erf)  }
0x200: {  	[tilespmem:$0x420] =	vst v1;
	v9 =	vsub.f32 $1.000000000e+00, v19;
	v7 =	vadd.f32 $1.000000000e+00, v16  }
0x201: {  	[tilespmem:$0xA0] =	vst v6;
	v2 =	vsub.f32 $1.000000000e+00, v20;
	v17 =	vadd.f32 v21, v21;
	v8 =	vmul.f32 $1.442695020e+00, v8  }
0x202: {  	v18 =	vadd.f32 v23, v23;
	v19 =	vadd.f32 v24, v24;
	[tilespmem:$0x110] =	vst v15;
	(erf) = vrcp.f32 v7  }
0x203: {  	v21 =	vadd.f32 v25, v25;
	v23 =	vadd.f32 v26, v26;
	[tilespmem:$0x120] =	vst v5;
	(erf) = vpow2.f32 v8  }
0x204: {  	v24 =	vadd.f32 v27, v27;
	v25 =	vadd.f32 v28, v28;
	[tilespmem:$0x130] =	vst v22  }
0x205: {  	v27 =	vadd.f32 v29, v29;
	v20 =	vsub.f32 $1.000000000e+00, v17;
	[tilespmem:$0x140] =	vst v9  }
0x206: {  	v14 =	vadd.f32 v30, v30;
	v0 =	vsub.f32 $1.000000000e+00, v18;
	[tilespmem:$0x150] =	vst v2  }
0x207: {  	v12 =	vld [tilespmem:$0x460];
	v30 =	vadd.f32 v38, v38;
	v22 =	vsub.f32 $1.000000000e+00, v19;
	[tilespmem:$0x160] =	vst v20  }
0x208: {  	v38 =	vadd.f32 v43, v43;
	v6 =	vsub.f32 $1.000000000e+00, v21;
	[tilespmem:$0x170] =	vst v0  }
0x209: {  	v26 =	vsub.f32 $1.000000000e+00, v23;
	v28 =	vsub.f32 $1.000000000e+00, v24;
	[tilespmem:$0x180] =	vst v22  }
0x20a: {  	v29 =	vsub.f32 $1.000000000e+00, v25;
	v13 =	vsub.f32 $1.000000000e+00, v27;
	[tilespmem:$0x190] =	vst v6  }
0x20b: {  	v15 =	vadd.f32 v31, v31;
	v18 =	vadd.f32 v34, v34;
	[tilespmem:$0x1A0] =	vst v26;
	v9 =	vpop (erf)  }
0x20c: {  	v23 =	vadd.f32 v33, v33;
	[tilespmem:$0x1B0] =	vst v28;
	v8 =	vadd.f32 v12, v12;
	v22 =	vpop (erf)  }
0x20d: {  	v17 =	vsub.f32 $1.000000000e+00, v14;
	[tilespmem:$0x1C0] =	vst v29;
	v7 =	vadd.f32 $1.000000000e+00, v22  }
0x20e: {  	v24 =	vadd.f32 v35, v35;
	v4 =	vsub.f32 $1.000000000e+00, v30;
	[tilespmem:$0x1D0] =	vst v13;
	v8 =	vmul.f32 $1.442695020e+00, v8  }
0x20f: {  	v25 =	vadd.f32 v36, v36;
	v19 =	vsub.f32 $1.000000000e+00, v15;
	[tilespmem:$0x1E0] =	vst v17;
	(erf) = vrcp.f32 v7  }
0x210: {  	v27 =	vadd.f32 v37, v37;
	v21 =	vsub.f32 $1.000000000e+00, v18;
	[tilespmem:$0x260] =	vst v4;
	(erf) = vpow2.f32 v8  }
0x211: {  	v31 =	vadd.f32 v39, v39;
	v26 =	vsub.f32 $1.000000000e+00, v23;
	[tilespmem:$0x1F0] =	vst v19  }
0x212: {  	v33 =	vadd.f32 v41, v41;
	v5 =	vsub.f32 $1.000000000e+00, v24;
	[tilespmem:$0x210] =	vst v21  }
0x213: {  	v37 =	vadd.f32 v42, v42;
	v28 =	vsub.f32 $1.000000000e+00, v25;
	[tilespmem:$0x220] =	vst v26  }
0x214: {  	v35 =	vld [tilespmem:$0x470];
	v39 =	vadd.f32 v44, v44;
	v29 =	vsub.f32 $1.000000000e+00, v27;
	[tilespmem:$0x230] =	vst v5  }
0x215: {  	v41 =	vadd.f32 v46, v46;
	v0 =	vsub.f32 $1.000000000e+00, v31;
	[tilespmem:$0x240] =	vst v28  }
0x216: {  	v46 =	vadd.f32 v45, v45;
	v36 =	vsub.f32 $1.000000000e+00, v33;
	[tilespmem:$0x250] =	vst v29  }
0x217: {  	v42 =	vsub.f32 $1.000000000e+00, v39;
	v43 =	vsub.f32 $1.000000000e+00, v41;
	[tilespmem:$0x270] =	vst v0  }
0x218: {  	v18 =	vsub.f32 $1.000000000e+00, v47;
	v23 =	vadd.f32 v52, v52;
	[tilespmem:$0x290] =	vst v36;
	v8 =	vpop (erf)  }
0x219: {  	v25 =	vadd.f32 v53, v53;
	[tilespmem:$0x2C0] =	vst v42;
	v7 =	vadd.f32 v35, v35;
	v44 =	vpop (erf)  }
0x21a: {  	v4 =	vsub.f32 $1.000000000e+00, v38;
	[tilespmem:$0x2D0] =	vst v43;
	v5 =	vadd.f32 $1.000000000e+00, v44  }
0x21b: {  	v33 =	vadd.f32 v57, v57;
	v0 =	vsub.f32 $1.000000000e+00, v46;
	[tilespmem:$0x2F0] =	vst v18;
	v7 =	vmul.f32 $1.442695020e+00, v7  }
0x21c: {  	v41 =	vadd.f32 v60, v60;
	v27 =	vsub.f32 $1.000000000e+00, v23;
	[tilespmem:$0x2B0] =	vst v4;
	(erf) = vrcp.f32 v5  }
0x21d: {  	v21 =	vadd.f32 v50, v50;
	v28 =	vsub.f32 $1.000000000e+00, v25;
	[tilespmem:$0x2E0] =	vst v0;
	(erf) = vpow2.f32 v7  }
0x21e: {  	v36 =	vsub.f32 $1.000000000e+00, v33;
	v43 =	vsub.f32 $1.000000000e+00, v41;
	[tilespmem:$0x340] =	vst v27  }
0x21f: {  	v16 =	vadd.f32 v32, v32;
	v32 =	vadd.f32 v40, v40;
	[tilespmem:$0x350] =	vst v28  }
0x220: {  	v30 =	vadd.f32 v55, v55;
	v40 =	vsub.f32 $1.000000000e+00, v37;
	[tilespmem:$0x390] =	vst v36  }
0x221: {  	v24 =	vsub.f32 $1.000000000e+00, v21;
	[tilespmem:$0x3C0] =	vst v43;
	v34 =	vsub.f32 $1.000000000e+00, v32  }
0x222: {  	v42 =	vadd.f32 v61, v61;
	v0 =	vsub.f32 $1.000000000e+00, v30;
	[tilespmem:$0x2A0] =	vst v40  }
0x223: {  	v17 =	vadd.f32 v49, v49;
	v46 =	vadd.f32 v63, v63;
	[tilespmem:$0x320] =	vst v24  }
0x224: {  	v50 =	vadd.f32 v10, v10;
	v45 =	vsub.f32 $1.000000000e+00, v42;
	[tilespmem:$0x370] =	vst v0  }
0x225: {  	v53 =	vadd.f32 v3, v3;
	v49 =	vsub.f32 $1.000000000e+00, v46;
	[tilespmem:$0x280] =	vst v34;
	v34 =	vpop (erf)  }
0x226: {  	v29 =	vadd.f32 v54, v54;
	v52 =	vsub.f32 $1.000000000e+00, v50;
	[tilespmem:$0x3D0] =	vst v45;
	v38 =	vpop (erf)  }
0x227: {  	v55 =	vsub.f32 $1.000000000e+00, v53;
	[tilespmem:$0x3F0] =	vst v49;
	v6 =	vadd.f32 $1.000000000e+00, v38  }
0x228: {  	v37 =	vadd.f32 v58, v58;
	v20 =	vsub.f32 $1.000000000e+00, v16;
	[tilespmem:$0x410] =	vst v52  }
0x229: {  	v39 =	vadd.f32 v59, v59;
	v32 =	vsub.f32 $1.000000000e+00, v29;
	[tilespmem:$0x430] =	vst v55;
	(erf) = vrcp.f32 v6  }
0x22a: {  	v16 =	vadd.f32 v48, v48;
	v40 =	vsub.f32 $1.000000000e+00, v37;
	[tilespmem:$0x200] =	vst v20  }
0x22b: {  	v0 =	vsub.f32 $1.000000000e+00, v39;
	[tilespmem:$0x360] =	vst v32  }
0x22c: {  	v48 =	vadd.f32 v11, v11;
	v19 =	vsub.f32 $1.000000000e+00, v16;
	[tilespmem:$0x3A0] =	vst v40  }
0x22d: {  	v20 =	vsub.f32 $1.000000000e+00, v17;
	[tilespmem:$0x3B0] =	vst v0;
	v54 =	vadd.f32 v9, v9  }
0x22e: {  	[tilespmem:$0x300] =	vst v19;
	v22 =	vadd.f32 v51, v51;
	v51 =	vsub.f32 $1.000000000e+00, v48  }
0x22f: {  	v31 =	vadd.f32 v56, v56;
	[tilespmem:$0x310] =	vst v20;
	v57 =	vsub.f32 $1.000000000e+00, v54  }
0x230: {  	v26 =	vsub.f32 $1.000000000e+00, v22;
	[tilespmem:$0x400] =	vst v51;
	v56 =	vadd.f32 v8, v8  }
0x231: {  	v35 =	vsub.f32 $1.000000000e+00, v31;
	[tilespmem:$0x440] =	vst v57;
	v44 =	vadd.f32 v62, v62  }
0x232: {  	[tilespmem:$0x330] =	vst v26;
	v60 =	vsub.f32 $1.000000000e+00, v56;
	v58 =	vadd.f32 v34, v34;
	v59 =	vpop (erf)  }
0x233: {  	[tilespmem:$0x380] =	vst v35;
	v47 =	vsub.f32 $1.000000000e+00, v44;
	v61 =	vadd.f32 v59, v59  }
0x234: {  	[tilespmem:$0x450] =	vst v60;
	v62 =	vsub.f32 $1.000000000e+00, v58  }
0x235: {  	[tilespmem:$0x3E0] =	vst v47;
	v63 =	vsub.f32 $1.000000000e+00, v61  }
0x236: {  	[tilespmem:$0x460] =	vst v62  }
0x237: {  	s9 =	simm.s32 $0x4C0;
	s10 =	simm.s32 $0x0;
	[tilespmem:$0x470] =	vst v63  }
.LBB2_3:
0x238: {  	s11 =	sshll.u32 s10, $0x6  }
0x239: {  	s11 =	sand.u32 $0x3FFFFFC0, s11  }
0x23a: {  	v0 =	vld [tilespmem:s11+$0x0];
	_ =	sdelay $0x4  }
0x23b: {  	s12 =	simm.s32 $0x0;
	[tilespmem:s9+$0xFFFFFFC0] =	vst v0  }
0x23c: {  	v0 =	vld [tilespmem:s12+$0x0];
	_ =	sdelay $0x4  }
0x23d: {  	[tilespmem:s9+$0x0] =	vst v0  }
0x23e: {  	v0 =	vld [tilespmem:s11+$0x10];
	_ =	sdelay $0x4  }
0x23f: {  	[tilespmem:s9+$0xFFFFFFD0] =	vst v0  }
0x240: {  	v0 =	vld [tilespmem:s12+$0x10];
	_ =	sdelay $0x4  }
0x241: {  	[tilespmem:s9+$0x10] =	vst v0  }
0x242: {  	v0 =	vld [tilespmem:s11+$0x20];
	_ =	sdelay $0x4  }
0x243: {  	[tilespmem:s9+$0xFFFFFFE0] =	vst v0  }
0x244: {  	v0 =	vld [tilespmem:s12+$0x20];
	_ =	sdelay $0x4  }
0x245: {  	[tilespmem:s9+$0x20] =	vst v0  }
0x246: {  	v0 =	vld [tilespmem:s11+$0x30];
	_ =	sdelay $0x4  }
0x247: {  	[tilespmem:s9+$0xFFFFFFF0] =	vst v0  }
0x248: {  	v0 =	vld [tilespmem:s12+$0x30];
	_ =	sdelay $0x4  }
0x249: {  	[tilespmem:s9+$0x30] =	vst v0  }
0x24a: {  	s14 =	simm.s32 $0x200;
	s13 =	smov.u32 s9;
	s12 =	simm.s32 $0x100;
	v0 =	vld [tilespmem:s11+$0x0]  }
.LBB2_4:
0x24b: {  	p0 =	sne.s32 s14, $0x1100;
	_ =	sdelay $0x2  }
0x24c: {  	s13 =	sadd.s32 $0x80, s13  }
0x24d: {  	s15 =	sshra.s32 s12, $0x2;
	s12 =	smov.u32 s14;
	[tilespmem:s13+$0xFFFFFFC0] =	vst v0  }
0x24e: {  	v0 =	vld [tilespmem:s15+$0x0];
	_ =	sdelay $0x4  }
0x24f: {  	[tilespmem:s13+$0x0] =	vst v0  }
0x250: {  	v0 =	vld [tilespmem:s11+$0x10];
	_ =	sdelay $0x4  }
0x251: {  	[tilespmem:s13+$0xFFFFFFD0] =	vst v0  }
0x252: {  	v0 =	vld [tilespmem:s15+$0x10];
	_ =	sdelay $0x4  }
0x253: {  	[tilespmem:s13+$0x10] =	vst v0  }
0x254: {  	v0 =	vld [tilespmem:s11+$0x20];
	_ =	sdelay $0x4  }
0x255: {  	[tilespmem:s13+$0xFFFFFFE0] =	vst v0  }
0x256: {  	v0 =	vld [tilespmem:s15+$0x20];
	_ =	sdelay $0x4  }
0x257: {  	[tilespmem:s13+$0x20] =	vst v0  }
0x258: {  	v0 =	vld [tilespmem:s11+$0x30];
	_ =	sdelay $0x4  }
0x259: {  	[tilespmem:s13+$0xFFFFFFF0] =	vst v0  }
0x25a: {  	v0 =	vld [tilespmem:s15+$0x30];
	_ =	sdelay $0x1  }
.Ltmp1:
0x25b: {  	(pc) =	sbr.rel @p0 .LBB2_4-.Ltmp1, $3  }
0x25c: {  	_ =	sdelay $0x1  }
0x25d: {  	[tilespmem:s13+$0x30] =	vst v0  }
0x25e: {  	s14 =	sadd.s32 $0x100, s14;
	v0 =	vld [tilespmem:s11+$0x0]  }
0x25f: {  	_ =	sdelay $0x2  }
0x260: {  	s13 =	sadd.s32 $0x80, s13  }
0x261: {  	s12 =	sshra.s32 s12, $0x2;
	[tilespmem:s13+$0xFFFFFFC0] =	vst v0  }
0x262: {  	v0 =	vld [tilespmem:s12+$0x0];
	_ =	sdelay $0x4  }
0x263: {  	[tilespmem:s13+$0x0] =	vst v0  }
0x264: {  	v0 =	vld [tilespmem:s11+$0x10];
	_ =	sdelay $0x4  }
0x265: {  	[tilespmem:s13+$0xFFFFFFD0] =	vst v0  }
0x266: {  	v0 =	vld [tilespmem:s12+$0x10];
	_ =	sdelay $0x4  }
0x267: {  	[tilespmem:s13+$0x10] =	vst v0  }
0x268: {  	v0 =	vld [tilespmem:s11+$0x20];
	_ =	sdelay $0x4  }
0x269: {  	[tilespmem:s13+$0xFFFFFFE0] =	vst v0  }
0x26a: {  	v0 =	vld [tilespmem:s12+$0x20];
	_ =	sdelay $0x4  }
0x26b: {  	[tilespmem:s13+$0x20] =	vst v0  }
0x26c: {  	v0 =	vld [tilespmem:s11+$0x30];
	_ =	sdelay $0x4  }
0x26d: {  	s10 =	sadd.s32 $0x1, s10;
	[tilespmem:s13+$0xFFFFFFF0] =	vst v0  }
0x26e: {  	p0 =	sne.s32 s10, $0x12;
	v0 =	vld [tilespmem:s12+$0x30]  }
.Ltmp2:
0x26f: {  	_ = 	snop;
	(pc) =	sbr.rel @p0 .LBB2_3-.Ltmp2, $2  }
0x270: {  	_ =	sdelay $0x2  }
0x271: {  	s9 =	sadd.s32 $0x900, s9;
	[tilespmem:s13+$0x30] =	vst v0  }
0x272: {  	s8 =	sadd.s32 $0x1, s8  }
0x273: {  	p0 =	sne.s32 s8, s4  }
.Ltmp3:
0x274: {  	_ = 	snop;
	(pc) =	sbr.rel @p0 .LBB2_2-.Ltmp3, $4  }
0x275: {  	[hbm4b:s3+s5] =	stream.linear.scatter [tilespmem:s7], [sflag:$0x1], $0xA200, $0x38;
	[tilespmem:$0xA680] =	vst v63  }
0x276: {  	_ =	swait.ge [sflag:s6], $0xA200  }
0x277: {  	[sflag:s6] =	ssyncset.done $0x0  }
0x278: {  	[sflag:s6] =	ssyncadd.s32 $0xFFFF5E00  }
.LBB2_7:
0x279: {  	_ =	sfence.sel $0x180000  }
0x27a: {  	[bflag:$0x0] =	sbarrier.arrive $0xFFFF  }
0x27b: {  	p0 =	sne.s32 s0, $0x0;
	_ =	strace $0x90000047  }
0x27c: {  	s0 =	sadd.s32 @!p0 $0x100000, s1;
	[bflag:$0x2] =	sbarrier.arrive $0xFFFF  }
0x27d: {  	[sflag:s0] =	ssyncadd.tile.s32 @!p0 $0x1;
	_ =	shalt  }
.Lfunc_end2:
_tile_overlayer_lowered:
.L_overlay_start_2:
0x27e: {  	(tag) =	ssettag $0x2  }
0x27f: {  	s0 =	rddreg [dreg:$0x0];
	s2 =	stileid.u32  }
0x280: {  	s1 =	rddreg [dreg:$0x1];
	p0 =	sne.s32 s2, $0x0  }
0x281: {  	s3 =	rddreg [dreg:$0x2];
	[bflag:$0x3] =	sbarrier.arrive $0xFFFF;
	s2 =	simm.s32 @!p0 $0x1C01  }
0x282: {  	[timem:s3], [sflag:s2] =	dma.local @!p0 [hbm:s0], s1  }
0x283: {  	s0 =	simm.s32 @!p0 $0x1  }
0x284: {  	_ =	swait.ge @!p0 [sflag:s0], s1  }
0x285: {  	s1 =	ssub.s32 @!p0 $0x0, s1;
	[sflag:s0] =	ssyncset.done @!p0 $0x0  }
0x286: {  	[sflag:s0] =	ssyncadd.s32 @!p0 s1  }
0x287: {  	[bflag:$0x3] =	sbarrier.arrive $0xFFFF  }
0x288: {  	_ =	shalt  }

</sc_bundles>
